<compile_context>
chip_gen: v7x
topology: tpu7x:2x2x1
jax: 0.10.2.dev20260603
libtpu: 0.0.44.dev20260713+nightly
codegen_flags: <defaults>
</compile_context>

<pallas_src>
import functools

import jax
import jax.numpy as jnp
from jax import lax
from jax.experimental import pallas as pl
from jax.experimental.pallas import tpu as pltpu

Q = 16
DIM = 64
PACK = 4
KTOP = 10
NSEL = 24
NCAND = 64
BUF = 128
EPS = 1.5
IDXB = 15
IDXM = (1 << IDXB) - 1


def _fold_slots(x):
    out = x[:, 0:Q]
    for s in range(1, PACK):
        out = jnp.minimum(out, x[:, s * Q:(s + 1) * Q])
    return out


def _scan_block(kb, lidx, a1, a2, base, dout_ref, iout_ref, iscr_ref):
    kbb = kb.astype(jnp.bfloat16)
    ksqb = (kb * kb).astype(jnp.bfloat16)
    qk = lax.dot_general(kbb, a1, (((1,), (0,)), ((), ())),
                         preferred_element_type=jnp.float32)
    c2 = lax.dot_general(ksqb, a2, (((1,), (0,)), ((), ())),
                         preferred_element_type=jnp.float32)
    d = c2 + qk

    s32 = lax.bitcast_convert_type(d, jnp.int32)
    key = s32 ^ (lax.shift_right_arithmetic(s32, 31) &
                 jnp.int32(0x7FFFFFFF))
    comb = (key & jnp.int32(~IDXM)) | lidx
    iscr_ref[...] = comb

    bufi = lax.broadcasted_iota(jnp.int32, (BUF, Q), 0)
    MAXI = jnp.int32(2**31 - 1)

    def cond(c):
        return (c[0] < NSEL) & c[1]

    def body(c):
        r, _, prev = c
        cc = iscr_ref[...]
        prev4 = jnp.concatenate([prev] * PACK, axis=1)
        live = jnp.where(cc > prev4, cc, MAXI)
        mcol = jnp.min(live, axis=0, keepdims=True)
        mc = _fold_slots(mcol)
        kbits = mc & jnp.int32(~IDXM)
        dec = lax.bitcast_convert_type(
            kbits ^ (lax.shift_right_arithmetic(kbits, 31) &
                     jnp.int32(0x7FFFFFFF)), jnp.float32)
        gq = (mc & IDXM) + base

        vals = dout_ref[...]
        idxs = iout_ref[...]
        do_q = dec < vals[KTOP - 1:KTOP, :] + EPS
        pos = jnp.sum((vals <= dec).astype(jnp.int32),
                      axis=0, keepdims=True)
        vshift = jnp.concatenate([vals[:1], vals[:-1]], axis=0)
        ishift = jnp.concatenate([idxs[:1], idxs[:-1]], axis=0)
        newv = jnp.where(bufi < pos, vals,
                         jnp.where(bufi == pos, dec, vshift))
        newi = jnp.where(bufi < pos, idxs,
                         jnp.where(bufi == pos, gq, ishift))
        dout_ref[...] = jnp.where(do_q, newv, vals)
        iout_ref[...] = jnp.where(do_q, newi, idxs)
        return r + jnp.int32(1), jnp.any(do_q), mc

    lax.while_loop(cond, body,
                   (jnp.int32(0), True,
                    jnp.full((1, Q), -(2**31 - 1) - 1, jnp.int32)))


def _knn_kernel64(a1_ref, a2_ref, k_ref, dout_ref, iout_ref, iscr_ref,
                  *, block_k, key_offset):
    t = pl.program_id(0)
    rows = block_k // PACK

    @pl.when(t == 0)
    def _init():
        dout_ref[...] = jnp.full((BUF, Q), jnp.inf, jnp.float32)
        iout_ref[...] = jnp.zeros((BUF, Q), jnp.int32)

    kb = jnp.concatenate(
        [k_ref[s * rows:(s + 1) * rows, :] for s in range(PACK)],
        axis=1)
    rowi = lax.broadcasted_iota(jnp.int32, (rows, PACK * Q), 0)
    slot = lax.broadcasted_iota(jnp.int32, (rows, PACK * Q), 1) // Q
    lidx = slot * rows + rowi
    base = (t * block_k).astype(jnp.int32) + key_offset
    _scan_block(kb, lidx, a1_ref[...], a2_ref[...], base,
                dout_ref, iout_ref, iscr_ref)


def _knn_kernel128(a1_ref, a2_ref, k_ref, dout_ref, iout_ref, iscr_ref,
                   *, block_r, key_offset):
    t = pl.program_id(0)
    half = block_r // 2

    @pl.when(t == 0)
    def _init():
        dout_ref[...] = jnp.full((BUF, Q), jnp.inf, jnp.float32)
        iout_ref[...] = jnp.zeros((BUF, Q), jnp.int32)

    kb = jnp.concatenate([k_ref[0:half, :], k_ref[half:block_r, :]],
                         axis=1)
    rowi = lax.broadcasted_iota(jnp.int32, (half, PACK * Q), 0)
    slot = lax.broadcasted_iota(jnp.int32, (half, PACK * Q), 1) // Q
    lidx = 2 * rowi + (slot % 2) + (slot // 2) * block_r
    base = (t * (2 * block_r)).astype(jnp.int32) + key_offset
    _scan_block(kb, lidx, a1_ref[...], a2_ref[...], base,
                dout_ref, iout_ref, iscr_ref)


def kernel(queries, keys, k):
    nkeys = keys.shape[0]
    half_keys = nkeys // 2

    eye = jnp.eye(PACK, dtype=jnp.float32)
    a1 = jnp.einsum("st,dq->sdtq", eye, -2.0 * queries.T).reshape(
        PACK * DIM, PACK * Q).astype(jnp.bfloat16)
    a2 = jnp.einsum("st,dq->sdtq", eye,
                    jnp.ones((DIM, Q), jnp.float32)).reshape(
        PACK * DIM, PACK * Q).astype(jnp.bfloat16)

    out_common = dict(
        out_specs=[
            pl.BlockSpec((BUF, Q), lambda t: (0, 0)),
            pl.BlockSpec((BUF, Q), lambda t: (0, 0)),
        ],
        out_shape=[
            jax.ShapeDtypeStruct((BUF, Q), jnp.float32),
            jax.ShapeDtypeStruct((BUF, Q), jnp.int32),
        ],
    )

    keys_b = keys[half_keys:].reshape(half_keys // 2, 2 * DIM)

    block_k = 20000
    assert half_keys % block_k == 0 and block_k <= (1 << IDXB)
    nb_a = half_keys // block_k
    _, ipad_a = pl.pallas_call(
        functools.partial(_knn_kernel64, block_k=block_k, key_offset=0),
        grid=(nb_a,),
        in_specs=[
            pl.BlockSpec((PACK * DIM, PACK * Q), lambda t: (0, 0)),
            pl.BlockSpec((PACK * DIM, PACK * Q), lambda t: (0, 0)),
            pl.BlockSpec((block_k, DIM), lambda t: (t, 0)),
        ],
        scratch_shapes=[pltpu.VMEM((block_k // PACK, PACK * Q), jnp.int32)],
        **out_common,
    )(a1, a2, keys[:half_keys])

    block_r = 10000
    nrows_b = half_keys // 2
    assert nrows_b % block_r == 0 and 2 * block_r <= (1 << IDXB)
    nb_b = nrows_b // block_r
    _, ipad_b = pl.pallas_call(
        functools.partial(_knn_kernel128, block_r=block_r,
                          key_offset=half_keys),
        grid=(nb_b,),
        in_specs=[
            pl.BlockSpec((PACK * DIM, PACK * Q), lambda t: (0, 0)),
            pl.BlockSpec((PACK * DIM, PACK * Q), lambda t: (0, 0)),
            pl.BlockSpec((block_r, 2 * DIM), lambda t: (t, 0)),
        ],
        scratch_shapes=[pltpu.VMEM((block_r // 2, PACK * Q), jnp.int32)],
        **out_common,
    )(a1, a2, keys_b)

    cand = jnp.sort(jnp.concatenate(
        [ipad_a[:NCAND, :].reshape(-1), ipad_b[:NCAND, :].reshape(-1)]))
    dup = jnp.concatenate(
        [jnp.zeros((1,), jnp.bool_), cand[1:] == cand[:-1]])
    sub = keys[cand]
    q2 = jnp.sum(queries * queries, axis=1, keepdims=True)
    c2 = jnp.sum(sub * sub, axis=1)[None, :]
    d2 = q2 + c2 - 2.0 * (queries @ sub.T)
    d2 = jnp.where(dup[None, :], jnp.inf, d2)
    neg_vals, pos = lax.top_k(-d2, KTOP)
    D = -neg_vals
    I = cand[pos]
    kth = D[-1, -1]
    return D, I, kth

# --- scband reference (transcript-rebuilt; emitter-appended) ---
"""Pipeline reference for scband-cache-kmeans-64707977282191 (READ-ONLY COPY).

The authoritative reference and input builder live on the scoring server;
editing this copy changes nothing except your own understanding.
"""

import jax, jax.numpy as jnp
import numpy as np


def setup_inputs(seed: int = 0) -> dict:
    key = jax.random.key(seed)
    kq, kk = jax.random.split(key)
    queries = jax.random.normal(kq, (16, 64), dtype=jnp.float32)
    keys = jax.random.normal(kk, (1000000, 64), dtype=jnp.float32)
    return {"queries": queries, "keys": keys, "k": 10}


def reference(queries, keys, k):
    # Faithful dense re-implementation of CacheKMeans._find_neighbors:
    # faiss.IndexFlatL2-style exact L2 search over the cached vectors
    # (the IVFPQ index is just an ANN approximation of this exact search).
    # Returns (D, I) like faiss: squared-L2 distances and indices of the
    # k nearest neighbors, plus the kth-neighbor distance D[-1][-1] used
    # as the kernel bandwidth in get_sum.
    q2 = jnp.sum(queries * queries, axis=1, keepdims=True)  # [Q, 1]
    c2 = jnp.sum(keys * keys, axis=1)[None, :]              # [1, K]
    d2 = q2 + c2 - 2.0 * (queries @ keys.T)                 # [Q, K] squared L2
    k_static = 10
    d2 = d2 + jnp.asarray(k, d2.dtype) * 0.0
    neg_vals, idx = jax.lax.top_k(-d2, k_static)            # k smallest distances
    D = -neg_vals                                           # [Q, k]
    kth_neighb = D[-1, -1]                                  # D[-1][-1] in the torch code
    return D, idx, kth_neighb

if __name__ == "__main__":
    import jax
    _d = setup_inputs()
    print(jax.jit(kernel)(*tuple(_d.values())))

</pallas_src>

<mosaic_0001>
module attributes {stable_mosaic.version = 14 : i64} {
  func.func @_knn_kernel64(%arg0: i32, %arg1: memref<256x64xbf16, #tpu.memory_space<vmem>>, %arg2: memref<256x64xbf16, #tpu.memory_space<vmem>>, %arg3: memref<20000x64xf32, #tpu.memory_space<vmem>>, %arg4: memref<128x16xf32, #tpu.memory_space<vmem>>, %arg5: memref<128x16xi32, #tpu.memory_space<vmem>>, %arg6: memref<5000x64xi32, #tpu.memory_space<vmem>>) attributes {dimension_semantics = [#tpu.dimension_semantics<arbitrary>], iteration_bounds = array<i64: 25>, scalar_prefetch = 0 : i64, scratch_operands = 1 : i64, tpu.core_type = #tpu.core_type<tc>, window_params = [{pipeline_mode = #tpu.pipeline_mode<synchronous>, transform_indices = @transform_0, window_bounds = array<i64: 256, 64>}, {pipeline_mode = #tpu.pipeline_mode<synchronous>, transform_indices = @transform_1, window_bounds = array<i64: 256, 64>}, {transform_indices = @transform_2, window_bounds = array<i64: 20000, 64>}, {pipeline_mode = #tpu.pipeline_mode<synchronous>, transform_indices = @transform_3, window_bounds = array<i64: 128, 16>}, {pipeline_mode = #tpu.pipeline_mode<synchronous>, transform_indices = @transform_4, window_bounds = array<i64: 128, 16>}]} {
    %eq3A = arith.constant 0 : i32
    %eq3A_0 = arith.cmpi eq, %arg0, %eq3A : i32
    %convert_element_type3A = arith.extui %eq3A_0 : i1 to i32
    %cond3A = arith.constant 0 : i32
    %cond3A_1 = arith.cmpi ne, %convert_element_type3A, %cond3A : i32
    scf.if %cond3A_1 {
      %broadcast_in_dim3A_71 = arith.constant 0x7F800000 : f32
      %broadcast_in_dim3A_72 = vector.broadcast %broadcast_in_dim3A_71 : f32 to vector<128x16xf32>
      %swap3A_73 = arith.constant 0 : index
      %swap3A_74 = arith.constant 0 : index
      %swap3A_75 = vector.load %arg4[%swap3A_73, %swap3A_74] : memref<128x16xf32, #tpu.memory_space<vmem>>, vector<128x16xf32>
      tpu.vector_store %arg4[%swap3A_73, %swap3A_74], %broadcast_in_dim3A_72 {strides = array<i32>} : memref<128x16xf32, #tpu.memory_space<vmem>>, vector<128x16xf32>,
      %broadcast_in_dim3A_76 = arith.constant 0 : i32
      %broadcast_in_dim3A_77 = vector.broadcast %broadcast_in_dim3A_76 : i32 to vector<128x16xi32>
      %swap3A_78 = arith.constant 0 : index
      %swap3A_79 = arith.constant 0 : index
      %swap3A_80 = vector.load %arg5[%swap3A_78, %swap3A_79] : memref<128x16xi32, #tpu.memory_space<vmem>>, vector<128x16xi32>
      tpu.vector_store %arg5[%swap3A_78, %swap3A_79], %broadcast_in_dim3A_77 {strides = array<i32>} : memref<128x16xi32, #tpu.memory_space<vmem>>, vector<128x16xi32>,
    } else {
    }
    %get3A = arith.constant 0 : index
    %get3A_2 = arith.constant 0 : index
    %get3A_3 = vector.load %arg3[%get3A, %get3A_2] : memref<20000x64xf32, #tpu.memory_space<vmem>>, vector<5000x64xf32>
    %get3A_4 = arith.constant 5000 : index
    %get3A_5 = arith.constant 0 : index
    %get3A_6 = vector.load %arg3[%get3A_4, %get3A_5] : memref<20000x64xf32, #tpu.memory_space<vmem>>, vector<5000x64xf32>
    %get3A_7 = arith.constant 10000 : index
    %get3A_8 = arith.constant 0 : index
    %get3A_9 = vector.load %arg3[%get3A_7, %get3A_8] : memref<20000x64xf32, #tpu.memory_space<vmem>>, vector<5000x64xf32>
    %get3A_10 = arith.constant 15000 : index
    %get3A_11 = arith.constant 0 : index
    %get3A_12 = vector.load %arg3[%get3A_10, %get3A_11] : memref<20000x64xf32, #tpu.memory_space<vmem>>, vector<5000x64xf32>
    %concatenate3A = tpu.concatenate %get3A_3, %get3A_6, %get3A_9, %get3A_12 in 1 : vector<5000x64xf32>, vector<5000x64xf32>, vector<5000x64xf32>, vector<5000x64xf32> -> vector<5000x256xf32>
    %iota3A = tpu.iota {dimensions = array<i32: 0>} : vector<5000x64xi32>
    %iota3A_13 = tpu.iota {dimensions = array<i32: 1>} : vector<5000x64xi32>
    %jit3A = arith.constant 16 : i32
    %div3A = vector.broadcast %jit3A : i32 to vector<5000x64xi32>
    %div3A_14 = arith.divsi %iota3A_13, %div3A : vector<5000x64xi32>
    %sign3A = arith.constant 0 : i32
    %sign3A_15 = vector.broadcast %sign3A : i32 to vector<5000x64xi32>
    %sign3A_16 = arith.cmpi sgt, %iota3A_13, %sign3A_15 : vector<5000x64xi32>
    %sign3A_17 = arith.extui %sign3A_16 : vector<5000x64xi1> to vector<5000x64xi32>
    %sign3A_18 = arith.constant 0 : i32
    %sign3A_19 = vector.broadcast %sign3A_18 : i32 to vector<5000x64xi32>
    %sign3A_20 = arith.cmpi slt, %iota3A_13, %sign3A_19 : vector<5000x64xi32>
    %sign3A_21 = arith.extui %sign3A_20 : vector<5000x64xi1> to vector<5000x64xi32>
    %sign3A_22 = arith.subi %sign3A_17, %sign3A_21 : vector<5000x64xi32>
    %sign3A_23 = arith.constant 0 : i32
    %sign3A_24 = arith.cmpi sgt, %jit3A, %sign3A_23 : i32
    %sign3A_25 = arith.extui %sign3A_24 : i1 to i32
    %sign3A_26 = arith.constant 0 : i32
    %sign3A_27 = arith.cmpi slt, %jit3A, %sign3A_26 : i32
    %sign3A_28 = arith.extui %sign3A_27 : i1 to i32
    %sign3A_29 = arith.subi %sign3A_25, %sign3A_28 : i32
    %ne3A = vector.broadcast %sign3A_29 : i32 to vector<5000x64xi32>
    %ne3A_30 = arith.cmpi ne, %sign3A_22, %ne3A : vector<5000x64xi32>
    %rem3A = vector.broadcast %jit3A : i32 to vector<5000x64xi32>
    %rem3A_31 = arith.remsi %iota3A_13, %rem3A : vector<5000x64xi32>
    %ne3A_32 = arith.constant 0 : i32
    %ne3A_33 = vector.broadcast %ne3A_32 : i32 to vector<5000x64xi32>
    %ne3A_34 = arith.cmpi ne, %rem3A_31, %ne3A_33 : vector<5000x64xi32>
    %and3A = arith.andi %ne3A_30, %ne3A_34 : vector<5000x64xi1>
    %sub3A = arith.constant 1 : i32
    %sub3A_35 = vector.broadcast %sub3A : i32 to vector<5000x64xi32>
    %sub3A_36 = arith.subi %div3A_14, %sub3A_35 : vector<5000x64xi32>
    %select_n3A = arith.select %and3A, %sub3A_36, %div3A_14 : vector<5000x64xi1>, vector<5000x64xi32>
    %mul3A = arith.constant 5000 : i32
    %mul3A_37 = vector.broadcast %mul3A : i32 to vector<5000x64xi32>
    %mul3A_38 = arith.muli %select_n3A, %mul3A_37 : vector<5000x64xi32>
    %add3A = arith.addi %mul3A_38, %iota3A : vector<5000x64xi32>
    %mul3A_39 = arith.constant 20000 : i32
    %mul3A_40 = arith.muli %arg0, %mul3A_39 : i32
    %add3A_41 = arith.constant 0 : i32
    %add3A_42 = arith.addi %mul3A_40, %add3A_41 : i32
    %get3A_43 = arith.constant 0 : index
    %get3A_44 = arith.constant 0 : index
    %get3A_45 = vector.load %arg1[%get3A_43, %get3A_44] : memref<256x64xbf16, #tpu.memory_space<vmem>>, vector<256x64xbf16>
    %get3A_46 = arith.constant 0 : index
    %get3A_47 = arith.constant 0 : index
    %get3A_48 = vector.load %arg2[%get3A_46, %get3A_47] : memref<256x64xbf16, #tpu.memory_space<vmem>>, vector<256x64xbf16>
    %convert_element_type3A_49 = arith.truncf %concatenate3A : vector<5000x256xf32> to vector<5000x256xbf16>
    %mul3A_50 = arith.mulf %concatenate3A, %concatenate3A : vector<5000x256xf32>
    %convert_element_type3A_51 = arith.truncf %mul3A_50 : vector<5000x256xf32> to vector<5000x256xbf16>
    %dot_general3A = arith.constant dense<0.000000e+00> : vector<5000x64xf32>
    %dot_general3A_52 = tpu.matmul %convert_element_type3A_49, %get3A_45, %dot_general3A {dimension_numbers = #tpu.dot_dimension_numbers<[1], [0], [0], [1], [0, 0, 1, 1], [], []>, transpose_lhs_hint = false} : vector<5000x256xbf16>, vector<256x64xbf16>, vector<5000x64xf32> -> vector<5000x64xf32>
    %dot_general3A_53 = arith.constant dense<0.000000e+00> : vector<5000x64xf32>
    %dot_general3A_54 = tpu.matmul %convert_element_type3A_51, %get3A_48, %dot_general3A_53 {dimension_numbers = #tpu.dot_dimension_numbers<[1], [0], [0], [1], [0, 0, 1, 1], [], []>, transpose_lhs_hint = false} : vector<5000x256xbf16>, vector<256x64xbf16>, vector<5000x64xf32> -> vector<5000x64xf32>
    %add3A_55 = arith.addf %dot_general3A_54, %dot_general3A_52 : vector<5000x64xf32>
    %bitcast_convert_type3A = tpu.bitcast %add3A_55 : vector<5000x64xf32> -> vector<5000x64xi32>
    %shift_right_arithmetic3A = arith.constant 31 : i32
    %shift_right_arithmetic3A_56 = vector.broadcast %shift_right_arithmetic3A : i32 to vector<5000x64xi32>
    %shift_right_arithmetic3A_57 = arith.shrsi %bitcast_convert_type3A, %shift_right_arithmetic3A_56 : vector<5000x64xi32>
    %and3A_58 = arith.constant 2147483647 : i32
    %and3A_59 = vector.broadcast %and3A_58 : i32 to vector<5000x64xi32>
    %and3A_60 = arith.andi %shift_right_arithmetic3A_57, %and3A_59 : vector<5000x64xi32>
    %xor3A = arith.xori %bitcast_convert_type3A, %and3A_60 : vector<5000x64xi32>
    %and3A_61 = arith.constant -32768 : i32
    %and3A_62 = vector.broadcast %and3A_61 : i32 to vector<5000x64xi32>
    %and3A_63 = arith.andi %xor3A, %and3A_62 : vector<5000x64xi32>
    %or3A = arith.ori %and3A_63, %add3A : vector<5000x64xi32>
    %swap3A = arith.constant 0 : index
    %swap3A_64 = arith.constant 0 : index
    %swap3A_65 = vector.load %arg6[%swap3A, %swap3A_64] : memref<5000x64xi32, #tpu.memory_space<vmem>>, vector<5000x64xi32>
    tpu.vector_store %arg6[%swap3A, %swap3A_64], %or3A {strides = array<i32>} : memref<5000x64xi32, #tpu.memory_space<vmem>>, vector<5000x64xi32>,
    %iota3A_66 = tpu.iota {dimensions = array<i32: 0>} : vector<128x16xi32>
    %broadcast_in_dim3A = arith.constant -2147483648 : i32
    %broadcast_in_dim3A_67 = vector.broadcast %broadcast_in_dim3A : i32 to vector<1x16xi32>
    %while3A = arith.constant 2147483647 : i32
    %while3A_68 = arith.constant 0 : i32
    %while3A_69 = arith.constant true
    %while3A_70:3 = scf.while (%while3A_71 = %while3A_68, %while3A_72 = %while3A_69, %while3A_73 = %broadcast_in_dim3A_67) : (i32, i1, vector<1x16xi32>) -> (i32, i1, vector<1x16xi32>) {
      %lt3A = arith.constant 24 : i32
      %lt3A_74 = arith.cmpi slt, %while3A_71, %lt3A : i32
      %and3A_75 = arith.andi %lt3A_74, %while3A_72 : i1
      scf.condition(%and3A_75) %while3A_71, %while3A_72, %while3A_73 : i32, i1, vector<1x16xi32>
    } do {
    ^bb0(%while3A_71: i32, %while3A_72: i1, %while3A_73: vector<1x16xi32>):
      %get3A_74 = arith.constant 0 : index
      %get3A_75 = arith.constant 0 : index
      %get3A_76 = vector.load %arg6[%get3A_74, %get3A_75] : memref<5000x64xi32, #tpu.memory_space<vmem>>, vector<5000x64xi32>
      %concatenate3A_77 = tpu.concatenate %while3A_73, %while3A_73, %while3A_73, %while3A_73 in 1 : vector<1x16xi32>, vector<1x16xi32>, vector<1x16xi32>, vector<1x16xi32> -> vector<1x64xi32>
      %gt3A = vector.broadcast %concatenate3A_77 : vector<1x64xi32> to vector<5000x64xi32>
      %gt3A_78 = arith.cmpi sgt, %get3A_76, %gt3A : vector<5000x64xi32>
      %broadcast_in_dim3A_79 = vector.broadcast %while3A : i32 to vector<5000x64xi32>
      %select_n3A_80 = arith.select %gt3A_78, %get3A_76, %broadcast_in_dim3A_79 : vector<5000x64xi1>, vector<5000x64xi32>
      %reduce_min3A = arith.constant dense<2147483647> : vector<64xi32>
      %reduce_min3A_81 = vector.multi_reduction <minsi>, %select_n3A_80, %reduce_min3A [0] : vector<5000x64xi32> to vector<64xi32>
      %broadcast_in_dim3A_82 = vector.shape_cast %reduce_min3A_81 : vector<64xi32> to vector<1x64xi32>
      %slice3A = vector.extract_strided_slice %broadcast_in_dim3A_82 {offsets = [0, 0], sizes = [1, 16], strides = [1, 1]} : vector<1x64xi32> to vector<1x16xi32>
      %slice3A_83 = vector.extract_strided_slice %broadcast_in_dim3A_82 {offsets = [0, 16], sizes = [1, 16], strides = [1, 1]} : vector<1x64xi32> to vector<1x16xi32>
      %min3A = arith.minsi %slice3A, %slice3A_83 : vector<1x16xi32>
      %slice3A_84 = vector.extract_strided_slice %broadcast_in_dim3A_82 {offsets = [0, 32], sizes = [1, 16], strides = [1, 1]} : vector<1x64xi32> to vector<1x16xi32>
      %min3A_85 = arith.minsi %min3A, %slice3A_84 : vector<1x16xi32>
      %slice3A_86 = vector.extract_strided_slice %broadcast_in_dim3A_82 {offsets = [0, 48], sizes = [1, 16], strides = [1, 1]} : vector<1x64xi32> to vector<1x16xi32>
      %min3A_87 = arith.minsi %min3A_85, %slice3A_86 : vector<1x16xi32>
      %and3A_88 = arith.constant -32768 : i32
      %and3A_89 = vector.broadcast %and3A_88 : i32 to vector<1x16xi32>
      %and3A_90 = arith.andi %min3A_87, %and3A_89 : vector<1x16xi32>
      %shift_right_arithmetic3A_91 = arith.constant 31 : i32
      %shift_right_arithmetic3A_92 = vector.broadcast %shift_right_arithmetic3A_91 : i32 to vector<1x16xi32>
      %shift_right_arithmetic3A_93 = arith.shrsi %and3A_90, %shift_right_arithmetic3A_92 : vector<1x16xi32>
      %and3A_94 = arith.constant 2147483647 : i32
      %and3A_95 = vector.broadcast %and3A_94 : i32 to vector<1x16xi32>
      %and3A_96 = arith.andi %shift_right_arithmetic3A_93, %and3A_95 : vector<1x16xi32>
      %xor3A_97 = arith.xori %and3A_90, %and3A_96 : vector<1x16xi32>
      %bitcast_convert_type3A_98 = tpu.bitcast %xor3A_97 : vector<1x16xi32> -> vector<1x16xf32>
      %and3A_99 = arith.constant 32767 : i32
      %and3A_100 = vector.broadcast %and3A_99 : i32 to vector<1x16xi32>
      %and3A_101 = arith.andi %min3A_87, %and3A_100 : vector<1x16xi32>
      %add3A_102 = vector.broadcast %add3A_42 : i32 to vector<1x16xi32>
      %add3A_103 = arith.addi %and3A_101, %add3A_102 : vector<1x16xi32>
      %get3A_104 = arith.constant 0 : index
      %get3A_105 = arith.constant 0 : index
      %get3A_106 = vector.load %arg4[%get3A_104, %get3A_105] : memref<128x16xf32, #tpu.memory_space<vmem>>, vector<128x16xf32>
      %get3A_107 = arith.constant 0 : index
      %get3A_108 = arith.constant 0 : index
      %get3A_109 = vector.load %arg5[%get3A_107, %get3A_108] : memref<128x16xi32, #tpu.memory_space<vmem>>, vector<128x16xi32>
      %slice3A_110 = vector.extract_strided_slice %get3A_106 {offsets = [9, 0], sizes = [1, 16], strides = [1, 1]} : vector<128x16xf32> to vector<1x16xf32>
      %add3A_111 = arith.constant 1.500000e+00 : f32
      %add3A_112 = vector.broadcast %add3A_111 : f32 to vector<1x16xf32>
      %add3A_113 = arith.addf %slice3A_110, %add3A_112 : vector<1x16xf32>
      %lt3A = arith.cmpf olt, %bitcast_convert_type3A_98, %add3A_113 : vector<1x16xf32>
      %le3A = vector.broadcast %bitcast_convert_type3A_98 : vector<1x16xf32> to vector<128x16xf32>
      %le3A_114 = arith.cmpf ole, %get3A_106, %le3A : vector<128x16xf32>
      %convert_element_type3A_115 = arith.extui %le3A_114 : vector<128x16xi1> to vector<128x16xi32>
      %reduce_sum3A = arith.constant dense<0> : vector<16xi32>
      %reduce_sum3A_116 = vector.multi_reduction <add>, %convert_element_type3A_115, %reduce_sum3A [0] : vector<128x16xi32> to vector<16xi32>
      %broadcast_in_dim3A_117 = vector.shape_cast %reduce_sum3A_116 : vector<16xi32> to vector<1x16xi32>
      %slice3A_118 = vector.extract_strided_slice %get3A_106 {offsets = [0, 0], sizes = [1, 16], strides = [1, 1]} : vector<128x16xf32> to vector<1x16xf32>
      %slice3A_119 = vector.extract_strided_slice %get3A_106 {offsets = [0, 0], sizes = [127, 16], strides = [1, 1]} : vector<128x16xf32> to vector<127x16xf32>
      %concatenate3A_120 = tpu.concatenate %slice3A_118, %slice3A_119 in 0 : vector<1x16xf32>, vector<127x16xf32> -> vector<128x16xf32>
      %slice3A_121 = vector.extract_strided_slice %get3A_109 {offsets = [0, 0], sizes = [1, 16], strides = [1, 1]} : vector<128x16xi32> to vector<1x16xi32>
      %slice3A_122 = vector.extract_strided_slice %get3A_109 {offsets = [0, 0], sizes = [127, 16], strides = [1, 1]} : vector<128x16xi32> to vector<127x16xi32>
      %concatenate3A_123 = tpu.concatenate %slice3A_121, %slice3A_122 in 0 : vector<1x16xi32>, vector<127x16xi32> -> vector<128x16xi32>
      %lt3A_124 = vector.broadcast %broadcast_in_dim3A_117 : vector<1x16xi32> to vector<128x16xi32>
      %lt3A_125 = arith.cmpi slt, %iota3A_66, %lt3A_124 : vector<128x16xi32>
      %eq3A_126 = vector.broadcast %broadcast_in_dim3A_117 : vector<1x16xi32> to vector<128x16xi32>
      %eq3A_127 = arith.cmpi eq, %iota3A_66, %eq3A_126 : vector<128x16xi32>
      %broadcast_in_dim3A_128 = vector.shape_cast %bitcast_convert_type3A_98 : vector<1x16xf32> to vector<1x16xf32>
      %broadcast_in_dim3A_129 = vector.broadcast %broadcast_in_dim3A_128 : vector<1x16xf32> to vector<128x16xf32>
      %select_n3A_130 = arith.select %eq3A_127, %broadcast_in_dim3A_129, %concatenate3A_120 : vector<128x16xi1>, vector<128x16xf32>
      %select_n3A_131 = arith.select %lt3A_125, %get3A_106, %select_n3A_130 : vector<128x16xi1>, vector<128x16xf32>
      %lt3A_132 = vector.broadcast %broadcast_in_dim3A_117 : vector<1x16xi32> to vector<128x16xi32>
      %lt3A_133 = arith.cmpi slt, %iota3A_66, %lt3A_132 : vector<128x16xi32>
      %eq3A_134 = vector.broadcast %broadcast_in_dim3A_117 : vector<1x16xi32> to vector<128x16xi32>
      %eq3A_135 = arith.cmpi eq, %iota3A_66, %eq3A_134 : vector<128x16xi32>
      %broadcast_in_dim3A_136 = vector.shape_cast %add3A_103 : vector<1x16xi32> to vector<1x16xi32>
      %broadcast_in_dim3A_137 = vector.broadcast %broadcast_in_dim3A_136 : vector<1x16xi32> to vector<128x16xi32>
      %select_n3A_138 = arith.select %eq3A_135, %broadcast_in_dim3A_137, %concatenate3A_123 : vector<128x16xi1>, vector<128x16xi32>
      %select_n3A_139 = arith.select %lt3A_133, %get3A_109, %select_n3A_138 : vector<128x16xi1>, vector<128x16xi32>
      %broadcast_in_dim3A_140 = vector.shape_cast %lt3A : vector<1x16xi1> to vector<1x16xi1>
      %broadcast_in_dim3A_141 = vector.broadcast %broadcast_in_dim3A_140 : vector<1x16xi1> to vector<128x16xi1>
      %select_n3A_142 = arith.select %broadcast_in_dim3A_141, %select_n3A_131, %get3A_106 : vector<128x16xi1>, vector<128x16xf32>
      %swap3A_143 = arith.constant 0 : index
      %swap3A_144 = arith.constant 0 : index
      %swap3A_145 = vector.load %arg4[%swap3A_143, %swap3A_144] : memref<128x16xf32, #tpu.memory_space<vmem>>, vector<128x16xf32>
      tpu.vector_store %arg4[%swap3A_143, %swap3A_144], %select_n3A_142 {strides = array<i32>} : memref<128x16xf32, #tpu.memory_space<vmem>>, vector<128x16xf32>,
      %broadcast_in_dim3A_146 = vector.shape_cast %lt3A : vector<1x16xi1> to vector<1x16xi1>
      %broadcast_in_dim3A_147 = vector.broadcast %broadcast_in_dim3A_146 : vector<1x16xi1> to vector<128x16xi1>
      %select_n3A_148 = arith.select %broadcast_in_dim3A_147, %select_n3A_139, %get3A_109 : vector<128x16xi1>, vector<128x16xi32>
      %swap3A_149 = arith.constant 0 : index
      %swap3A_150 = arith.constant 0 : index
      %swap3A_151 = vector.load %arg5[%swap3A_149, %swap3A_150] : memref<128x16xi32, #tpu.memory_space<vmem>>, vector<128x16xi32>
      tpu.vector_store %arg5[%swap3A_149, %swap3A_150], %select_n3A_148 {strides = array<i32>} : memref<128x16xi32, #tpu.memory_space<vmem>>, vector<128x16xi32>,
      %add3A_152 = arith.constant 1 : i32
      %add3A_153 = arith.addi %while3A_71, %add3A_152 : i32
      %reduce_or3A = arith.constant 1.000000e+00 : f32
      %reduce_or3A_154 = arith.constant 0.000000e+00 : f32
      %reduce_or3A_155 = vector.broadcast %reduce_or3A : f32 to vector<1x16xf32>
      %reduce_or3A_156 = vector.broadcast %reduce_or3A_154 : f32 to vector<1x16xf32>
      %reduce_or3A_157 = arith.select %lt3A, %reduce_or3A_155, %reduce_or3A_156 : vector<1x16xi1>, vector<1x16xf32>
      %reduce_or3A_158 = vector.shape_cast %reduce_or3A_157 : vector<1x16xf32> to vector<1x1x16xf32>
      %reduce_or3A_159 = arith.constant dense<0xFF800000> : vector<1xf32>
      %reduce_or3A_160 = vector.multi_reduction <maximumf>, %reduce_or3A_158, %reduce_or3A_159 [1, 2] : vector<1x1x16xf32> to vector<1xf32>
      %reduce_or3A_161 = vector.shape_cast %reduce_or3A_160 : vector<1xf32> to vector<1x1x1xf32>
      %reduce_or3A_162 = vector.extract %reduce_or3A_161[0, 0, 0] : f32 from vector<1x1x1xf32>
      %reduce_or3A_163 = arith.constant 0.000000e+00 : f32
      %reduce_or3A_164 = arith.cmpf ogt, %reduce_or3A_162, %reduce_or3A_163 : f32
      scf.yield %add3A_153, %reduce_or3A_164, %min3A_87 : i32, i1, vector<1x16xi32>
    }
    return
  }
  func.func @transform_0(%arg0: i32) -> (i32, i32) {
    %c0_i32 = arith.constant 0 : i32
    %c0_i32_0 = arith.constant 0 : i32
    %c0_i32_1 = arith.constant 0 : i32
    return %c0_i32, %c0_i32_0 : i32, i32
  }
  func.func @transform_1(%arg0: i32) -> (i32, i32) {
    %c0_i32 = arith.constant 0 : i32
    %c0_i32_0 = arith.constant 0 : i32
    %c0_i32_1 = arith.constant 0 : i32
    return %c0_i32, %c0_i32_0 : i32, i32
  }
  func.func @transform_2(%arg0: i32) -> (i32, i32) {
    %c0_i32 = arith.constant 0 : i32
    %c0_i32_0 = arith.constant 0 : i32
    return %arg0, %c0_i32 : i32, i32
  }
  func.func @transform_3(%arg0: i32) -> (i32, i32) {
    %c0_i32 = arith.constant 0 : i32
    %c0_i32_0 = arith.constant 0 : i32
    %c0_i32_1 = arith.constant 0 : i32
    return %c0_i32, %c0_i32_0 : i32, i32
  }
  func.func @transform_4(%arg0: i32) -> (i32, i32) {
    %c0_i32 = arith.constant 0 : i32
    %c0_i32_0 = arith.constant 0 : i32
    %c0_i32_1 = arith.constant 0 : i32
    return %c0_i32, %c0_i32_0 : i32, i32
  }
}

module attributes {stable_mosaic.version = 14 : i64} {
  func.func @_knn_kernel128(%arg0: i32, %arg1: memref<256x64xbf16, #tpu.memory_space<vmem>>, %arg2: memref<256x64xbf16, #tpu.memory_space<vmem>>, %arg3: memref<10000x128xf32, #tpu.memory_space<vmem>>, %arg4: memref<128x16xf32, #tpu.memory_space<vmem>>, %arg5: memref<128x16xi32, #tpu.memory_space<vmem>>, %arg6: memref<5000x64xi32, #tpu.memory_space<vmem>>) attributes {dimension_semantics = [#tpu.dimension_semantics<arbitrary>], iteration_bounds = array<i64: 25>, scalar_prefetch = 0 : i64, scratch_operands = 1 : i64, tpu.core_type = #tpu.core_type<tc>, window_params = [{pipeline_mode = #tpu.pipeline_mode<synchronous>, transform_indices = @transform_0, window_bounds = array<i64: 256, 64>}, {pipeline_mode = #tpu.pipeline_mode<synchronous>, transform_indices = @transform_1, window_bounds = array<i64: 256, 64>}, {transform_indices = @transform_2, window_bounds = array<i64: 10000, 128>}, {pipeline_mode = #tpu.pipeline_mode<synchronous>, transform_indices = @transform_3, window_bounds = array<i64: 128, 16>}, {pipeline_mode = #tpu.pipeline_mode<synchronous>, transform_indices = @transform_4, window_bounds = array<i64: 128, 16>}]} {
    %eq3A = arith.constant 0 : i32
    %eq3A_0 = arith.cmpi eq, %arg0, %eq3A : i32
    %convert_element_type3A = arith.extui %eq3A_0 : i1 to i32
    %cond3A = arith.constant 0 : i32
    %cond3A_1 = arith.cmpi ne, %convert_element_type3A, %cond3A : i32
    scf.if %cond3A_1 {
      %broadcast_in_dim3A_121 = arith.constant 0x7F800000 : f32
      %broadcast_in_dim3A_122 = vector.broadcast %broadcast_in_dim3A_121 : f32 to vector<128x16xf32>
      %swap3A_123 = arith.constant 0 : index
      %swap3A_124 = arith.constant 0 : index
      %swap3A_125 = vector.load %arg4[%swap3A_123, %swap3A_124] : memref<128x16xf32, #tpu.memory_space<vmem>>, vector<128x16xf32>
      tpu.vector_store %arg4[%swap3A_123, %swap3A_124], %broadcast_in_dim3A_122 {strides = array<i32>} : memref<128x16xf32, #tpu.memory_space<vmem>>, vector<128x16xf32>,
      %broadcast_in_dim3A_126 = arith.constant 0 : i32
      %broadcast_in_dim3A_127 = vector.broadcast %broadcast_in_dim3A_126 : i32 to vector<128x16xi32>
      %swap3A_128 = arith.constant 0 : index
      %swap3A_129 = arith.constant 0 : index
      %swap3A_130 = vector.load %arg5[%swap3A_128, %swap3A_129] : memref<128x16xi32, #tpu.memory_space<vmem>>, vector<128x16xi32>
      tpu.vector_store %arg5[%swap3A_128, %swap3A_129], %broadcast_in_dim3A_127 {strides = array<i32>} : memref<128x16xi32, #tpu.memory_space<vmem>>, vector<128x16xi32>,
    } else {
    }
    %get3A = arith.constant 0 : index
    %get3A_2 = arith.constant 0 : index
    %get3A_3 = vector.load %arg3[%get3A, %get3A_2] : memref<10000x128xf32, #tpu.memory_space<vmem>>, vector<5000x128xf32>
    %get3A_4 = arith.constant 5000 : index
    %get3A_5 = arith.constant 0 : index
    %get3A_6 = vector.load %arg3[%get3A_4, %get3A_5] : memref<10000x128xf32, #tpu.memory_space<vmem>>, vector<5000x128xf32>
    %concatenate3A = tpu.concatenate %get3A_3, %get3A_6 in 1 : vector<5000x128xf32>, vector<5000x128xf32> -> vector<5000x256xf32>
    %iota3A = tpu.iota {dimensions = array<i32: 0>} : vector<5000x64xi32>
    %iota3A_7 = tpu.iota {dimensions = array<i32: 1>} : vector<5000x64xi32>
    %jit3A = arith.constant 16 : i32
    %div3A = vector.broadcast %jit3A : i32 to vector<5000x64xi32>
    %div3A_8 = arith.divsi %iota3A_7, %div3A : vector<5000x64xi32>
    %sign3A = arith.constant 0 : i32
    %sign3A_9 = vector.broadcast %sign3A : i32 to vector<5000x64xi32>
    %sign3A_10 = arith.cmpi sgt, %iota3A_7, %sign3A_9 : vector<5000x64xi32>
    %sign3A_11 = arith.extui %sign3A_10 : vector<5000x64xi1> to vector<5000x64xi32>
    %sign3A_12 = arith.constant 0 : i32
    %sign3A_13 = vector.broadcast %sign3A_12 : i32 to vector<5000x64xi32>
    %sign3A_14 = arith.cmpi slt, %iota3A_7, %sign3A_13 : vector<5000x64xi32>
    %sign3A_15 = arith.extui %sign3A_14 : vector<5000x64xi1> to vector<5000x64xi32>
    %sign3A_16 = arith.subi %sign3A_11, %sign3A_15 : vector<5000x64xi32>
    %sign3A_17 = arith.constant 0 : i32
    %sign3A_18 = arith.cmpi sgt, %jit3A, %sign3A_17 : i32
    %sign3A_19 = arith.extui %sign3A_18 : i1 to i32
    %sign3A_20 = arith.constant 0 : i32
    %sign3A_21 = arith.cmpi slt, %jit3A, %sign3A_20 : i32
    %sign3A_22 = arith.extui %sign3A_21 : i1 to i32
    %sign3A_23 = arith.subi %sign3A_19, %sign3A_22 : i32
    %ne3A = vector.broadcast %sign3A_23 : i32 to vector<5000x64xi32>
    %ne3A_24 = arith.cmpi ne, %sign3A_16, %ne3A : vector<5000x64xi32>
    %rem3A = vector.broadcast %jit3A : i32 to vector<5000x64xi32>
    %rem3A_25 = arith.remsi %iota3A_7, %rem3A : vector<5000x64xi32>
    %ne3A_26 = arith.constant 0 : i32
    %ne3A_27 = vector.broadcast %ne3A_26 : i32 to vector<5000x64xi32>
    %ne3A_28 = arith.cmpi ne, %rem3A_25, %ne3A_27 : vector<5000x64xi32>
    %and3A = arith.andi %ne3A_24, %ne3A_28 : vector<5000x64xi1>
    %sub3A = arith.constant 1 : i32
    %sub3A_29 = vector.broadcast %sub3A : i32 to vector<5000x64xi32>
    %sub3A_30 = arith.subi %div3A_8, %sub3A_29 : vector<5000x64xi32>
    %select_n3A = arith.select %and3A, %sub3A_30, %div3A_8 : vector<5000x64xi1>, vector<5000x64xi32>
    %mul3A = arith.constant 2 : i32
    %mul3A_31 = vector.broadcast %mul3A : i32 to vector<5000x64xi32>
    %mul3A_32 = arith.muli %mul3A_31, %iota3A : vector<5000x64xi32>
    %jit3A_33 = arith.constant 2 : i32
    %eq3A_34 = arith.constant 0 : i32
    %eq3A_35 = arith.cmpi eq, %jit3A_33, %eq3A_34 : i32
    %jit3A_36 = arith.constant 1 : i32
    %select_n3A_37 = arith.select %eq3A_35, %jit3A_36, %jit3A_33 : i32
    %rem3A_38 = vector.broadcast %select_n3A_37 : i32 to vector<5000x64xi32>
    %rem3A_39 = arith.remsi %select_n3A, %rem3A_38 : vector<5000x64xi32>
    %ne3A_40 = arith.constant 0 : i32
    %ne3A_41 = vector.broadcast %ne3A_40 : i32 to vector<5000x64xi32>
    %ne3A_42 = arith.cmpi ne, %rem3A_39, %ne3A_41 : vector<5000x64xi32>
    %lt3A = arith.constant 0 : i32
    %lt3A_43 = vector.broadcast %lt3A : i32 to vector<5000x64xi32>
    %lt3A_44 = arith.cmpi slt, %rem3A_39, %lt3A_43 : vector<5000x64xi32>
    %lt3A_45 = arith.constant 0 : i32
    %lt3A_46 = arith.cmpi slt, %select_n3A_37, %lt3A_45 : i32
    %ne3A_47 = vector.broadcast %lt3A_46 : i1 to vector<5000x64xi1>
    %ne3A_48 = vector.broadcast %ne3A_47 : vector<5000x64xi1> to vector<5000x64xi1>
    %ne3A_49 = arith.xori %lt3A_44, %ne3A_48 : vector<5000x64xi1>
    %and3A_50 = arith.andi %ne3A_49, %ne3A_42 : vector<5000x64xi1>
    %add3A = vector.broadcast %select_n3A_37 : i32 to vector<5000x64xi32>
    %add3A_51 = arith.addi %rem3A_39, %add3A : vector<5000x64xi32>
    %select_n3A_52 = arith.select %and3A_50, %add3A_51, %rem3A_39 : vector<5000x64xi1>, vector<5000x64xi32>
    %add3A_53 = arith.addi %mul3A_32, %select_n3A_52 : vector<5000x64xi32>
    %jit3A_54 = arith.constant 2 : i32
    %div3A_55 = vector.broadcast %jit3A_54 : i32 to vector<5000x64xi32>
    %div3A_56 = arith.divsi %select_n3A, %div3A_55 : vector<5000x64xi32>
    %sign3A_57 = arith.constant 0 : i32
    %sign3A_58 = vector.broadcast %sign3A_57 : i32 to vector<5000x64xi32>
    %sign3A_59 = arith.cmpi sgt, %select_n3A, %sign3A_58 : vector<5000x64xi32>
    %sign3A_60 = arith.extui %sign3A_59 : vector<5000x64xi1> to vector<5000x64xi32>
    %sign3A_61 = arith.constant 0 : i32
    %sign3A_62 = vector.broadcast %sign3A_61 : i32 to vector<5000x64xi32>
    %sign3A_63 = arith.cmpi slt, %select_n3A, %sign3A_62 : vector<5000x64xi32>
    %sign3A_64 = arith.extui %sign3A_63 : vector<5000x64xi1> to vector<5000x64xi32>
    %sign3A_65 = arith.subi %sign3A_60, %sign3A_64 : vector<5000x64xi32>
    %sign3A_66 = arith.constant 0 : i32
    %sign3A_67 = arith.cmpi sgt, %jit3A_54, %sign3A_66 : i32
    %sign3A_68 = arith.extui %sign3A_67 : i1 to i32
    %sign3A_69 = arith.constant 0 : i32
    %sign3A_70 = arith.cmpi slt, %jit3A_54, %sign3A_69 : i32
    %sign3A_71 = arith.extui %sign3A_70 : i1 to i32
    %sign3A_72 = arith.subi %sign3A_68, %sign3A_71 : i32
    %ne3A_73 = vector.broadcast %sign3A_72 : i32 to vector<5000x64xi32>
    %ne3A_74 = arith.cmpi ne, %sign3A_65, %ne3A_73 : vector<5000x64xi32>
    %rem3A_75 = vector.broadcast %jit3A_54 : i32 to vector<5000x64xi32>
    %rem3A_76 = arith.remsi %select_n3A, %rem3A_75 : vector<5000x64xi32>
    %ne3A_77 = arith.constant 0 : i32
    %ne3A_78 = vector.broadcast %ne3A_77 : i32 to vector<5000x64xi32>
    %ne3A_79 = arith.cmpi ne, %rem3A_76, %ne3A_78 : vector<5000x64xi32>
    %and3A_80 = arith.andi %ne3A_74, %ne3A_79 : vector<5000x64xi1>
    %sub3A_81 = arith.constant 1 : i32
    %sub3A_82 = vector.broadcast %sub3A_81 : i32 to vector<5000x64xi32>
    %sub3A_83 = arith.subi %div3A_56, %sub3A_82 : vector<5000x64xi32>
    %select_n3A_84 = arith.select %and3A_80, %sub3A_83, %div3A_56 : vector<5000x64xi1>, vector<5000x64xi32>
    %mul3A_85 = arith.constant 10000 : i32
    %mul3A_86 = vector.broadcast %mul3A_85 : i32 to vector<5000x64xi32>
    %mul3A_87 = arith.muli %select_n3A_84, %mul3A_86 : vector<5000x64xi32>
    %add3A_88 = arith.addi %add3A_53, %mul3A_87 : vector<5000x64xi32>
    %mul3A_89 = arith.constant 20000 : i32
    %mul3A_90 = arith.muli %arg0, %mul3A_89 : i32
    %add3A_91 = arith.constant 500000 : i32
    %add3A_92 = arith.addi %mul3A_90, %add3A_91 : i32
    %get3A_93 = arith.constant 0 : index
    %get3A_94 = arith.constant 0 : index
    %get3A_95 = vector.load %arg1[%get3A_93, %get3A_94] : memref<256x64xbf16, #tpu.memory_space<vmem>>, vector<256x64xbf16>
    %get3A_96 = arith.constant 0 : index
    %get3A_97 = arith.constant 0 : index
    %get3A_98 = vector.load %arg2[%get3A_96, %get3A_97] : memref<256x64xbf16, #tpu.memory_space<vmem>>, vector<256x64xbf16>
    %convert_element_type3A_99 = arith.truncf %concatenate3A : vector<5000x256xf32> to vector<5000x256xbf16>
    %mul3A_100 = arith.mulf %concatenate3A, %concatenate3A : vector<5000x256xf32>
    %convert_element_type3A_101 = arith.truncf %mul3A_100 : vector<5000x256xf32> to vector<5000x256xbf16>
    %dot_general3A = arith.constant dense<0.000000e+00> : vector<5000x64xf32>
    %dot_general3A_102 = tpu.matmul %convert_element_type3A_99, %get3A_95, %dot_general3A {dimension_numbers = #tpu.dot_dimension_numbers<[1], [0], [0], [1], [0, 0, 1, 1], [], []>, transpose_lhs_hint = false} : vector<5000x256xbf16>, vector<256x64xbf16>, vector<5000x64xf32> -> vector<5000x64xf32>
    %dot_general3A_103 = arith.constant dense<0.000000e+00> : vector<5000x64xf32>
    %dot_general3A_104 = tpu.matmul %convert_element_type3A_101, %get3A_98, %dot_general3A_103 {dimension_numbers = #tpu.dot_dimension_numbers<[1], [0], [0], [1], [0, 0, 1, 1], [], []>, transpose_lhs_hint = false} : vector<5000x256xbf16>, vector<256x64xbf16>, vector<5000x64xf32> -> vector<5000x64xf32>
    %add3A_105 = arith.addf %dot_general3A_104, %dot_general3A_102 : vector<5000x64xf32>
    %bitcast_convert_type3A = tpu.bitcast %add3A_105 : vector<5000x64xf32> -> vector<5000x64xi32>
    %shift_right_arithmetic3A = arith.constant 31 : i32
    %shift_right_arithmetic3A_106 = vector.broadcast %shift_right_arithmetic3A : i32 to vector<5000x64xi32>
    %shift_right_arithmetic3A_107 = arith.shrsi %bitcast_convert_type3A, %shift_right_arithmetic3A_106 : vector<5000x64xi32>
    %and3A_108 = arith.constant 2147483647 : i32
    %and3A_109 = vector.broadcast %and3A_108 : i32 to vector<5000x64xi32>
    %and3A_110 = arith.andi %shift_right_arithmetic3A_107, %and3A_109 : vector<5000x64xi32>
    %xor3A = arith.xori %bitcast_convert_type3A, %and3A_110 : vector<5000x64xi32>
    %and3A_111 = arith.constant -32768 : i32
    %and3A_112 = vector.broadcast %and3A_111 : i32 to vector<5000x64xi32>
    %and3A_113 = arith.andi %xor3A, %and3A_112 : vector<5000x64xi32>
    %or3A = arith.ori %and3A_113, %add3A_88 : vector<5000x64xi32>
    %swap3A = arith.constant 0 : index
    %swap3A_114 = arith.constant 0 : index
    %swap3A_115 = vector.load %arg6[%swap3A, %swap3A_114] : memref<5000x64xi32, #tpu.memory_space<vmem>>, vector<5000x64xi32>
    tpu.vector_store %arg6[%swap3A, %swap3A_114], %or3A {strides = array<i32>} : memref<5000x64xi32, #tpu.memory_space<vmem>>, vector<5000x64xi32>,
    %iota3A_116 = tpu.iota {dimensions = array<i32: 0>} : vector<128x16xi32>
    %broadcast_in_dim3A = arith.constant -2147483648 : i32
    %broadcast_in_dim3A_117 = vector.broadcast %broadcast_in_dim3A : i32 to vector<1x16xi32>
    %while3A = arith.constant 2147483647 : i32
    %while3A_118 = arith.constant 0 : i32
    %while3A_119 = arith.constant true
    %while3A_120:3 = scf.while (%while3A_121 = %while3A_118, %while3A_122 = %while3A_119, %while3A_123 = %broadcast_in_dim3A_117) : (i32, i1, vector<1x16xi32>) -> (i32, i1, vector<1x16xi32>) {
      %lt3A_124 = arith.constant 24 : i32
      %lt3A_125 = arith.cmpi slt, %while3A_121, %lt3A_124 : i32
      %and3A_126 = arith.andi %lt3A_125, %while3A_122 : i1
      scf.condition(%and3A_126) %while3A_121, %while3A_122, %while3A_123 : i32, i1, vector<1x16xi32>
    } do {
    ^bb0(%while3A_121: i32, %while3A_122: i1, %while3A_123: vector<1x16xi32>):
      %get3A_124 = arith.constant 0 : index
      %get3A_125 = arith.constant 0 : index
      %get3A_126 = vector.load %arg6[%get3A_124, %get3A_125] : memref<5000x64xi32, #tpu.memory_space<vmem>>, vector<5000x64xi32>
      %concatenate3A_127 = tpu.concatenate %while3A_123, %while3A_123, %while3A_123, %while3A_123 in 1 : vector<1x16xi32>, vector<1x16xi32>, vector<1x16xi32>, vector<1x16xi32> -> vector<1x64xi32>
      %gt3A = vector.broadcast %concatenate3A_127 : vector<1x64xi32> to vector<5000x64xi32>
      %gt3A_128 = arith.cmpi sgt, %get3A_126, %gt3A : vector<5000x64xi32>
      %broadcast_in_dim3A_129 = vector.broadcast %while3A : i32 to vector<5000x64xi32>
      %select_n3A_130 = arith.select %gt3A_128, %get3A_126, %broadcast_in_dim3A_129 : vector<5000x64xi1>, vector<5000x64xi32>
      %reduce_min3A = arith.constant dense<2147483647> : vector<64xi32>
      %reduce_min3A_131 = vector.multi_reduction <minsi>, %select_n3A_130, %reduce_min3A [0] : vector<5000x64xi32> to vector<64xi32>
      %broadcast_in_dim3A_132 = vector.shape_cast %reduce_min3A_131 : vector<64xi32> to vector<1x64xi32>
      %slice3A = vector.extract_strided_slice %broadcast_in_dim3A_132 {offsets = [0, 0], sizes = [1, 16], strides = [1, 1]} : vector<1x64xi32> to vector<1x16xi32>
      %slice3A_133 = vector.extract_strided_slice %broadcast_in_dim3A_132 {offsets = [0, 16], sizes = [1, 16], strides = [1, 1]} : vector<1x64xi32> to vector<1x16xi32>
      %min3A = arith.minsi %slice3A, %slice3A_133 : vector<1x16xi32>
      %slice3A_134 = vector.extract_strided_slice %broadcast_in_dim3A_132 {offsets = [0, 32], sizes = [1, 16], strides = [1, 1]} : vector<1x64xi32> to vector<1x16xi32>
      %min3A_135 = arith.minsi %min3A, %slice3A_134 : vector<1x16xi32>
      %slice3A_136 = vector.extract_strided_slice %broadcast_in_dim3A_132 {offsets = [0, 48], sizes = [1, 16], strides = [1, 1]} : vector<1x64xi32> to vector<1x16xi32>
      %min3A_137 = arith.minsi %min3A_135, %slice3A_136 : vector<1x16xi32>
      %and3A_138 = arith.constant -32768 : i32
      %and3A_139 = vector.broadcast %and3A_138 : i32 to vector<1x16xi32>
      %and3A_140 = arith.andi %min3A_137, %and3A_139 : vector<1x16xi32>
      %shift_right_arithmetic3A_141 = arith.constant 31 : i32
      %shift_right_arithmetic3A_142 = vector.broadcast %shift_right_arithmetic3A_141 : i32 to vector<1x16xi32>
      %shift_right_arithmetic3A_143 = arith.shrsi %and3A_140, %shift_right_arithmetic3A_142 : vector<1x16xi32>
      %and3A_144 = arith.constant 2147483647 : i32
      %and3A_145 = vector.broadcast %and3A_144 : i32 to vector<1x16xi32>
      %and3A_146 = arith.andi %shift_right_arithmetic3A_143, %and3A_145 : vector<1x16xi32>
      %xor3A_147 = arith.xori %and3A_140, %and3A_146 : vector<1x16xi32>
      %bitcast_convert_type3A_148 = tpu.bitcast %xor3A_147 : vector<1x16xi32> -> vector<1x16xf32>
      %and3A_149 = arith.constant 32767 : i32
      %and3A_150 = vector.broadcast %and3A_149 : i32 to vector<1x16xi32>
      %and3A_151 = arith.andi %min3A_137, %and3A_150 : vector<1x16xi32>
      %add3A_152 = vector.broadcast %add3A_92 : i32 to vector<1x16xi32>
      %add3A_153 = arith.addi %and3A_151, %add3A_152 : vector<1x16xi32>
      %get3A_154 = arith.constant 0 : index
      %get3A_155 = arith.constant 0 : index
      %get3A_156 = vector.load %arg4[%get3A_154, %get3A_155] : memref<128x16xf32, #tpu.memory_space<vmem>>, vector<128x16xf32>
      %get3A_157 = arith.constant 0 : index
      %get3A_158 = arith.constant 0 : index
      %get3A_159 = vector.load %arg5[%get3A_157, %get3A_158] : memref<128x16xi32, #tpu.memory_space<vmem>>, vector<128x16xi32>
      %slice3A_160 = vector.extract_strided_slice %get3A_156 {offsets = [9, 0], sizes = [1, 16], strides = [1, 1]} : vector<128x16xf32> to vector<1x16xf32>
      %add3A_161 = arith.constant 1.500000e+00 : f32
      %add3A_162 = vector.broadcast %add3A_161 : f32 to vector<1x16xf32>
      %add3A_163 = arith.addf %slice3A_160, %add3A_162 : vector<1x16xf32>
      %lt3A_164 = arith.cmpf olt, %bitcast_convert_type3A_148, %add3A_163 : vector<1x16xf32>
      %le3A = vector.broadcast %bitcast_convert_type3A_148 : vector<1x16xf32> to vector<128x16xf32>
      %le3A_165 = arith.cmpf ole, %get3A_156, %le3A : vector<128x16xf32>
      %convert_element_type3A_166 = arith.extui %le3A_165 : vector<128x16xi1> to vector<128x16xi32>
      %reduce_sum3A = arith.constant dense<0> : vector<16xi32>
      %reduce_sum3A_167 = vector.multi_reduction <add>, %convert_element_type3A_166, %reduce_sum3A [0] : vector<128x16xi32> to vector<16xi32>
      %broadcast_in_dim3A_168 = vector.shape_cast %reduce_sum3A_167 : vector<16xi32> to vector<1x16xi32>
      %slice3A_169 = vector.extract_strided_slice %get3A_156 {offsets = [0, 0], sizes = [1, 16], strides = [1, 1]} : vector<128x16xf32> to vector<1x16xf32>
      %slice3A_170 = vector.extract_strided_slice %get3A_156 {offsets = [0, 0], sizes = [127, 16], strides = [1, 1]} : vector<128x16xf32> to vector<127x16xf32>
      %concatenate3A_171 = tpu.concatenate %slice3A_169, %slice3A_170 in 0 : vector<1x16xf32>, vector<127x16xf32> -> vector<128x16xf32>
      %slice3A_172 = vector.extract_strided_slice %get3A_159 {offsets = [0, 0], sizes = [1, 16], strides = [1, 1]} : vector<128x16xi32> to vector<1x16xi32>
      %slice3A_173 = vector.extract_strided_slice %get3A_159 {offsets = [0, 0], sizes = [127, 16], strides = [1, 1]} : vector<128x16xi32> to vector<127x16xi32>
      %concatenate3A_174 = tpu.concatenate %slice3A_172, %slice3A_173 in 0 : vector<1x16xi32>, vector<127x16xi32> -> vector<128x16xi32>
      %lt3A_175 = vector.broadcast %broadcast_in_dim3A_168 : vector<1x16xi32> to vector<128x16xi32>
      %lt3A_176 = arith.cmpi slt, %iota3A_116, %lt3A_175 : vector<128x16xi32>
      %eq3A_177 = vector.broadcast %broadcast_in_dim3A_168 : vector<1x16xi32> to vector<128x16xi32>
      %eq3A_178 = arith.cmpi eq, %iota3A_116, %eq3A_177 : vector<128x16xi32>
      %broadcast_in_dim3A_179 = vector.shape_cast %bitcast_convert_type3A_148 : vector<1x16xf32> to vector<1x16xf32>
      %broadcast_in_dim3A_180 = vector.broadcast %broadcast_in_dim3A_179 : vector<1x16xf32> to vector<128x16xf32>
      %select_n3A_181 = arith.select %eq3A_178, %broadcast_in_dim3A_180, %concatenate3A_171 : vector<128x16xi1>, vector<128x16xf32>
      %select_n3A_182 = arith.select %lt3A_176, %get3A_156, %select_n3A_181 : vector<128x16xi1>, vector<128x16xf32>
      %lt3A_183 = vector.broadcast %broadcast_in_dim3A_168 : vector<1x16xi32> to vector<128x16xi32>
      %lt3A_184 = arith.cmpi slt, %iota3A_116, %lt3A_183 : vector<128x16xi32>
      %eq3A_185 = vector.broadcast %broadcast_in_dim3A_168 : vector<1x16xi32> to vector<128x16xi32>
      %eq3A_186 = arith.cmpi eq, %iota3A_116, %eq3A_185 : vector<128x16xi32>
      %broadcast_in_dim3A_187 = vector.shape_cast %add3A_153 : vector<1x16xi32> to vector<1x16xi32>
      %broadcast_in_dim3A_188 = vector.broadcast %broadcast_in_dim3A_187 : vector<1x16xi32> to vector<128x16xi32>
      %select_n3A_189 = arith.select %eq3A_186, %broadcast_in_dim3A_188, %concatenate3A_174 : vector<128x16xi1>, vector<128x16xi32>
      %select_n3A_190 = arith.select %lt3A_184, %get3A_159, %select_n3A_189 : vector<128x16xi1>, vector<128x16xi32>
      %broadcast_in_dim3A_191 = vector.shape_cast %lt3A_164 : vector<1x16xi1> to vector<1x16xi1>
      %broadcast_in_dim3A_192 = vector.broadcast %broadcast_in_dim3A_191 : vector<1x16xi1> to vector<128x16xi1>
      %select_n3A_193 = arith.select %broadcast_in_dim3A_192, %select_n3A_182, %get3A_156 : vector<128x16xi1>, vector<128x16xf32>
      %swap3A_194 = arith.constant 0 : index
      %swap3A_195 = arith.constant 0 : index
      %swap3A_196 = vector.load %arg4[%swap3A_194, %swap3A_195] : memref<128x16xf32, #tpu.memory_space<vmem>>, vector<128x16xf32>
      tpu.vector_store %arg4[%swap3A_194, %swap3A_195], %select_n3A_193 {strides = array<i32>} : memref<128x16xf32, #tpu.memory_space<vmem>>, vector<128x16xf32>,
      %broadcast_in_dim3A_197 = vector.shape_cast %lt3A_164 : vector<1x16xi1> to vector<1x16xi1>
      %broadcast_in_dim3A_198 = vector.broadcast %broadcast_in_dim3A_197 : vector<1x16xi1> to vector<128x16xi1>
      %select_n3A_199 = arith.select %broadcast_in_dim3A_198, %select_n3A_190, %get3A_159 : vector<128x16xi1>, vector<128x16xi32>
      %swap3A_200 = arith.constant 0 : index
      %swap3A_201 = arith.constant 0 : index
      %swap3A_202 = vector.load %arg5[%swap3A_200, %swap3A_201] : memref<128x16xi32, #tpu.memory_space<vmem>>, vector<128x16xi32>
      tpu.vector_store %arg5[%swap3A_200, %swap3A_201], %select_n3A_199 {strides = array<i32>} : memref<128x16xi32, #tpu.memory_space<vmem>>, vector<128x16xi32>,
      %add3A_203 = arith.constant 1 : i32
      %add3A_204 = arith.addi %while3A_121, %add3A_203 : i32
      %reduce_or3A = arith.constant 1.000000e+00 : f32
      %reduce_or3A_205 = arith.constant 0.000000e+00 : f32
      %reduce_or3A_206 = vector.broadcast %reduce_or3A : f32 to vector<1x16xf32>
      %reduce_or3A_207 = vector.broadcast %reduce_or3A_205 : f32 to vector<1x16xf32>
      %reduce_or3A_208 = arith.select %lt3A_164, %reduce_or3A_206, %reduce_or3A_207 : vector<1x16xi1>, vector<1x16xf32>
      %reduce_or3A_209 = vector.shape_cast %reduce_or3A_208 : vector<1x16xf32> to vector<1x1x16xf32>
      %reduce_or3A_210 = arith.constant dense<0xFF800000> : vector<1xf32>
      %reduce_or3A_211 = vector.multi_reduction <maximumf>, %reduce_or3A_209, %reduce_or3A_210 [1, 2] : vector<1x1x16xf32> to vector<1xf32>
      %reduce_or3A_212 = vector.shape_cast %reduce_or3A_211 : vector<1xf32> to vector<1x1x1xf32>
      %reduce_or3A_213 = vector.extract %reduce_or3A_212[0, 0, 0] : f32 from vector<1x1x1xf32>
      %reduce_or3A_214 = arith.constant 0.000000e+00 : f32
      %reduce_or3A_215 = arith.cmpf ogt, %reduce_or3A_213, %reduce_or3A_214 : f32
      scf.yield %add3A_204, %reduce_or3A_215, %min3A_137 : i32, i1, vector<1x16xi32>
    }
    return
  }
  func.func @transform_0(%arg0: i32) -> (i32, i32) {
    %c0_i32 = arith.constant 0 : i32
    %c0_i32_0 = arith.constant 0 : i32
    %c0_i32_1 = arith.constant 0 : i32
    return %c0_i32, %c0_i32_0 : i32, i32
  }
  func.func @transform_1(%arg0: i32) -> (i32, i32) {
    %c0_i32 = arith.constant 0 : i32
    %c0_i32_0 = arith.constant 0 : i32
    %c0_i32_1 = arith.constant 0 : i32
    return %c0_i32, %c0_i32_0 : i32, i32
  }
  func.func @transform_2(%arg0: i32) -> (i32, i32) {
    %c0_i32 = arith.constant 0 : i32
    %c0_i32_0 = arith.constant 0 : i32
    return %arg0, %c0_i32 : i32, i32
  }
  func.func @transform_3(%arg0: i32) -> (i32, i32) {
    %c0_i32 = arith.constant 0 : i32
    %c0_i32_0 = arith.constant 0 : i32
    %c0_i32_1 = arith.constant 0 : i32
    return %c0_i32, %c0_i32_0 : i32, i32
  }
  func.func @transform_4(%arg0: i32) -> (i32, i32) {
    %c0_i32 = arith.constant 0 : i32
    %c0_i32_0 = arith.constant 0 : i32
    %c0_i32_1 = arith.constant 0 : i32
    return %c0_i32, %c0_i32_0 : i32, i32
  }
}

</mosaic_0001>

<sc_bundles>
// kernel: gather_offload_async_start
scs
__scs_entry_jumppad:
0x0: {  	(pc) =	sbr.rel $0x88, $3  }
0x1: {  	(tag) =	ssettag $0x0;
	lr =	simm.s32 $0x1  }
0x2: {  	[smem:$0x3F9F] =	sst lr;
	_ =	strace $0xD0000000  }
0x3: {  	_ = 	snop  }
0x4: {  	_ = 	snop  }
0x5: {  	_ = 	snop  }
0x6: {  	_ = 	snop  }
0x7: {  	_ = 	snop  }
__scs_overlays_trampoline_lowered:
0x8: {  	[smem:$0x3FAE] =	sst s0  }
0x9: {  	[smem:$0x3FAF] =	sst s1  }
0xa: {  	[smem:$0x3FB0] =	sst s2  }
0xb: {  	[smem:$0x3FB1] =	sst s3  }
0xc: {  	[smem:$0x3FB2] =	sst s4  }
0xd: {  	[smem:$0x3FB3] =	sst s5  }
0xe: {  	[smem:$0x3FB4] =	sst s6  }
0xf: {  	[smem:$0x3FB5] =	sst s7  }
0x10: {  	[smem:$0x3FB6] =	sst s8  }
0x11: {  	[smem:$0x3FB7] =	sst s9;
	s0 =	simm.s32 @!p0 $0x0  }
0x12: {  	s1 =	sld [smem:$0x3F9D];
	s0 =	simm.s32 @p0 $0x1  }
0x13: {  	[smem:$0x3FB8] =	sst s0;
	s0 =	simm.s32 @!p1 $0x0  }
0x14: {  	s2 =	sld [smem:$0x3F9C];
	s0 =	simm.s32 @p1 $0x1  }
0x15: {  	[smem:$0x3FB9] =	sst s0;
	s0 =	simm.s32 @!p2 $0x0  }
0x16: {  	s3 =	sld [smem:$0x3FDB];
	s0 =	simm.s32 @p2 $0x1  }
0x17: {  	s4 =	simm.s32 $0x1BF5;
	[smem:$0x3FBB] =	sst s0  }
0x18: {  	s0 =	sld [smem:$0x3F9E];
	_ =	swait.ge [sflag:s4], $0x0  }
0x19: {  	s7 =	sld [smem:$0x3F9F]  }
0x1a: {  	s8 =	sadd.s32 $0xFFFFE003, lr  }
0x1b: {  	s9 =	sadd.s32 $0xFFFFFEF7, lr;
	s5 =	simm.s32 $0xFFFFFFFF;
	p2 =	slt.u32 s8, $0xFFFFF086  }
0x1c: {  	p1 =	slt.u32 s9, $0xF7A;
	s5 =	simm.s32 @!p2 $0x0  }
0x1d: {  	s5 =	simm.s32 @p1 $0x1;
	p0 =	seq.s32 s7, s2  }
0x1e: {  	s7 =	smul.u32 @!p0 $0xF7A, s2;
	p2 =	seq.s32 @!p0 s5, $0x0  }
0x1f: {  	s9 =	smul.u32 $0xF7A, s1;
	s8 =	simm.s32 @!p0 $0x1BF5;
	p2 =	por !p2, p0  }
0x20: {  	[sflag:s8] =	ssyncset.s32 @!p0 $0xFFFFF086;
	s6 =	sadd.s32 @!p0 s3, s7;
	s7 =	simm.s32 @!p0 $0x108  }
0x21: {  	s3 =	sadd.s32 s3, s9;
	s6 =	sadd.s32 @!p0 $0x88, s6;
	s7 =	simm.s32 @p2 $0x1082  }
0x22: {  	[simem:s7], [sflag:s8] =	dma.local @!p0 [hbm:s6], $0xF7A  }
0x23: {  	s9 =	sor.u32 $0xD0000000, s2;
	s6 =	simm.s32 $0x108;
	_ =	swait.ge @!p0 [sflag:s8], $0x0  }
0x24: {  	s3 =	sadd.s32 $0x88, s3;
	s6 =	simm.s32 @!p1 $0x1082;
	[sflag:s4] =	ssyncset.s32 $0xFFFFF086  }
0x25: {  	[simem:s6], [sflag:s4] =	dma.local [hbm:s3], $0xF7A  }
0x26: {  	[smem:$0x3F9F] =	sst s1;
	(tag) =	ssettag s2;
	_ =	strace s9  }
0x27: {  	s1 =	sld [smem:$0x3FAF]  }
0x28: {  	s2 =	sld [smem:$0x3FB0]  }
0x29: {  	s4 =	sld [smem:$0x3FB2]  }
0x2a: {  	p0 =	seq.s32 s5, $0x0;
	s5 =	sld [smem:$0x3FB3]  }
0x2b: {  	s6 =	sld [smem:$0x3FB4]  }
0x2c: {  	s7 =	sld [smem:$0x3FB5]  }
0x2d: {  	s3 =	simm.s32 $0x108;
	s8 =	sld [smem:$0x3FB6]  }
0x2e: {  	s3 =	simm.s32 @!p0 $0x1082;
	s9 =	sld [smem:$0x3FB7]  }
0x2f: {  	lr =	sadd.s32 s0, s3;
	s0 =	sld [smem:$0x3FAE]  }
0x30: {  	s3 =	sld [smem:$0x3FB1]  }
0x31: {  	[smem:$0x3FBA] =	sst s10  }
0x32: {  	s10 =	sld [smem:$0x3FB8];
	_ =	sdelay $0x3  }
0x33: {  	p0 =	seq.s32 s10, $0x1;
	s10 =	sld [smem:$0x3FBA];
	_ =	sdelay $0x3  }
0x34: {  	[smem:$0x3FBA] =	sst s10  }
0x35: {  	s10 =	sld [smem:$0x3FB9];
	_ =	sdelay $0x3  }
0x36: {  	p1 =	seq.s32 s10, $0x1;
	s10 =	sld [smem:$0x3FBA];
	_ =	sdelay $0x3  }
0x37: {  	[smem:$0x3FBA] =	sst s10  }
0x38: {  	s10 =	sld [smem:$0x3FBB]  }
0x39: {  	_ = 	snop;
	(pc) =	sbr.ind lr, $3  }
0x3a: {  	_ = 	snop  }
0x3b: {  	_ = 	snop  }
0x3c: {  	p2 =	seq.s32 s10, $0x1;
	s10 =	sld [smem:$0x3FBA]  }
0x3d: {  	_ =	shalt  }
0x3e: {  	_ =	shalt  }
0x3f: {  	_ =	shalt  }
0x40: {  	_ =	shalt  }
0x41: {  	_ =	shalt  }
0x42: {  	_ =	shalt  }
0x43: {  	_ =	shalt  }
0x44: {  	_ =	shalt  }
0x45: {  	_ =	shalt  }
0x46: {  	_ =	shalt  }
0x47: {  	_ =	shalt  }
0x48: {  	_ =	shalt  }
0x49: {  	_ =	shalt  }
0x4a: {  	_ =	shalt  }
0x4b: {  	_ =	shalt  }
0x4c: {  	_ =	shalt  }
0x4d: {  	_ =	shalt  }
0x4e: {  	_ =	shalt  }
0x4f: {  	_ =	shalt  }
0x50: {  	_ =	shalt  }
0x51: {  	_ =	shalt  }
0x52: {  	_ =	shalt  }
0x53: {  	_ =	shalt  }
0x54: {  	_ =	shalt  }
0x55: {  	_ =	shalt  }
0x56: {  	_ =	shalt  }
0x57: {  	_ =	shalt  }
0x58: {  	_ =	shalt  }
0x59: {  	_ =	shalt  }
0x5a: {  	_ =	shalt  }
0x5b: {  	_ =	shalt  }
0x5c: {  	_ =	shalt  }
0x5d: {  	_ =	shalt  }
0x5e: {  	_ =	shalt  }
0x5f: {  	_ =	shalt  }
0x60: {  	_ =	shalt  }
0x61: {  	_ =	shalt  }
0x62: {  	_ =	shalt  }
0x63: {  	_ =	shalt  }
0x64: {  	_ =	shalt  }
0x65: {  	_ =	shalt  }
0x66: {  	_ =	shalt  }
0x67: {  	_ =	shalt  }
0x68: {  	_ =	shalt  }
0x69: {  	_ =	shalt  }
0x6a: {  	_ =	shalt  }
0x6b: {  	_ =	shalt  }
0x6c: {  	_ =	shalt  }
0x6d: {  	_ =	shalt  }
0x6e: {  	_ =	shalt  }
0x6f: {  	_ =	shalt  }
0x70: {  	_ =	shalt  }
0x71: {  	_ =	shalt  }
0x72: {  	_ =	shalt  }
0x73: {  	_ =	shalt  }
0x74: {  	_ =	shalt  }
0x75: {  	_ =	shalt  }
0x76: {  	_ =	shalt  }
0x77: {  	_ =	shalt  }
0x78: {  	_ =	shalt  }
0x79: {  	_ =	shalt  }
0x7a: {  	_ =	shalt  }
0x7b: {  	_ =	shalt  }
0x7c: {  	_ =	shalt  }
0x7d: {  	_ =	shalt  }
0x7e: {  	_ =	shalt  }
0x7f: {  	_ =	shalt  }
0x80: {  	_ =	shalt  }
0x81: {  	_ =	shalt  }
0x82: {  	_ =	shalt  }
0x83: {  	_ =	shalt  }
0x84: {  	_ =	shalt  }
0x85: {  	_ =	shalt  }
0x86: {  	_ =	shalt  }
0x87: {  	_ =	shalt  }
.Lfunc_end0:
.L_simem_size_0:
called_computation.1_lowered:
.L_overlay_start_0:
0x88: {  	s2 =	sld [smem:$0x3FD9]  }
0x89: {  	s3 =	sld [smem:$0x3FFE];
	_ =	sdelay $0x1  }
0x8a: {  	s1 =	srdreg.scid  }
0x8b: {  	s0 =	sand.u32 $0x1, s1  }
0x8c: {  	s14 =	sshll.u32 s0, $0xA;
	s2 =	sadd.s32 s3, s2  }
0x8d: {  	s2 =	sadd.s32 s2, s14  }
0x8e: {  	[smem:$0x3FC6] =	sst s2  }
0x8f: {  	_ = 	snop  }
0x90: {  	s2 =	sld [smem:$0x3FD0];
	_ =	sdelay $0x2  }
0x91: {  	s15 =	simm.s32 $0xA;
	s4 =	simm.s32 $0x10  }
0x92: {  	[smem:s4], [sflag:s15] =	dma.local [hbm:s2], $0x1  }
0x93: {  	_ =	swait.eq [sflag:s15], $0x1  }
0x94: {  	[sflag:s15] =	ssyncset.done $0x0  }
0x95: {  	[sflag:s15] =	ssyncadd.s32 $0xFFFFFFFF  }
0x96: {  	s16 =	sld [smem:$0x11];
	(tm) =	ssettm $0x1  }
0x97: {  	s17 =	sld [smem:$0x3FFB];
	_ =	sdelay $0x3  }
0x98: {  	_ =	strace s17  }
0x99: {  	s3 =	sld [smem:$0x3FFC];
	_ =	sdelay $0x3  }
0x9a: {  	_ =	strace s3  }
0x9b: {  	s3 =	sld [smem:$0x3FFD];
	_ =	sdelay $0x3  }
0x9c: {  	_ =	strace s3  }
0x9d: {  	_ =	strace $0x8FFFFFFF  }
0x9e: {  	s18 =	sld [smem:$0x3FDB];
	_ =	sdelay $0x1  }
0x9f: {  	s19 =	simm.s32 $_scs_section_size  }
0xa0: {  	s5 =	simm.s32 $_size__tile_overlayer_lowered;
	s6 =	simm.s32 $_tile_overlayer_lowered  }
0xa1: {  	s22 =	simm.s32 $0x1BFF;
	s21 =	sshll.u32 s6, $0x1;
	s3 =	sadd.s32 s19, s18  }
0xa2: {  	s7 =	simm.s32 $0x0;
	s20 =	sshll.u32 s5, $0x1;
	s5 =	sadd.s32 s21, s3  }
0xa3: {  	[timem:s7], [sflag:s22] =	dma.local [hbm:s5], s20  }
0xa4: {  	_ =	swait.ge [sflag:s22], s20  }
0xa5: {  	s4 =	ssub.s32 $0x0, s20;
	[sflag:s22] =	ssyncset.done $0x0  }
0xa6: {  	[sflag:s22] =	ssyncadd.s32 s4;
	_ =	sdelay $0x1  }
0xa7: {  	s23 =	simm.s32 $0x1B8B  }
0xa8: {  	_ =	swait.ge [sflag:s23], $0x1  }
0xa9: {  	[sflag:s23] =	ssyncset.done $0x0  }
0xaa: {  	s25 =	simm.s32 $0x1B8E;
	s24 =	sld [smem:$0x3FFE];
	[sflag:s23] =	ssyncadd.s32 $0xFFFFFFFF  }
0xab: {  	s26 =	simm.s32 $execute0_lowered;
	[smem:$0x3FD2] =	sst s25  }
0xac: {  	s5 =	sshll.u32 s26, $0x1;
	_ =	strace $0x80000049;
	[dreg:$0x1] =	wrdreg $0xFFFFFFFF  }
0xad: {  	s28 =	simm.s32 $_size_execute0_lowered;
	s3 =	sadd.s32 s3, s5;
	[dreg:$0x0] =	wrdreg $0x0  }
0xae: {  	s5 =	sshll.u32 s28, $0x1;
	[dreg:$0x2] =	wrdreg s3  }
0xaf: {  	[dreg:$0x3] =	wrdreg s5  }
0xb0: {  	[dreg:$0x4] =	wrdreg $0xC0  }
0xb1: {  	_ =	task [dreg:s7], $0x5FFFF  }
0xb2: {  	[dreg:$0x1] =	wrdreg $0xFFFFFFFF  }
0xb3: {  	[dreg:$0x0] =	wrdreg $0x60  }
0xb4: {  	[dreg:$0x2] =	wrdreg s24  }
0xb5: {  	[dreg:$0x3] =	wrdreg s16  }
0xb6: {  	[dreg:$0x4] =	wrdreg $0x9  }
0xb7: {  	_ =	task.clear_ibuf [dreg:s7], $0x5FFFF;
	_ =	strace $0x90000049  }
0xb8: {  	s29 =	simm.s32 $0x9;
	_ =	strace $0x8000004B  }
0xb9: {  	_ =	swait.ge [sflag:s29], $0x1  }
0xba: {  	[sflag:s29] =	ssyncadd.s32 $0xFFFFFFFF  }
0xbb: {  	_ =	strace $0x9000004B  }
0xbc: {  	_ =	sfence  }
0xbd: {  	s30 =	sld [smem:$0x0];
	_ =	sdelay $0x2  }
0xbe: {  	s31 =	sshll.u32 s1, $0xD;
	s1 =	sshrl.u32 s1, $0x2  }
0xbf: {  	s3 =	sand.u32 $0x4000, s31;
	s1 =	sadd.s32 s1, s30  }
0xc0: {  	s0 =	sor.u32 s3, s0;
	s1 =	sshll.u32 s1, $0x11  }
0xc1: {  	s0 =	sor.u32 s1, s0  }
0xc2: {  	s0 =	sadd.s32 $0x8F2B, s0  }
0xc3: {  	[sflag:s0] =	ssyncadd.remote.s32 $0x1  }
0xc4: {  	_ =	sfence.sel $0xFFFF  }
0xc5: {  	[dreg:$0x0] =	wrdreg $0xFFFFFFFF;
	(pc) =	sbr.abs _section_cstart, $3  }
0xc6: {  	[dreg:$0x1] =	wrdreg $0xFFFFFFFF  }
0xc7: {  	_ =	task.clear_ibuf [dreg:s7], $0x2FFFF;
	_ =	strace $0x9FFFFFFF  }
0xc8: {  	(tm) =	ssettm $0x7FFFFFFF  }
0xc9: {  	_ =	shalt  }
tec
execute0_lowered:
.L_overlay_start_1:
0x0: {  	(tag) =	ssettag $0x1  }
0x1: {  	s2 =	rddreg [dreg:$0x0]  }
0x2: {  	s3 =	rddreg [dreg:$0x1]  }
0x3: {  	s0 =	rddreg [dreg:$0x2];
	s1 =	srdreg.scid;
	_ =	strace $0x8000004A  }
0x4: {  	s4 =	simm.s32 $0x1;
	s9 =	simm.s32 $0x3;
	s5 =	sshll.u32 s1, $0x4  }
.Ltmp0:
0x5: {  	s1 =	stileid.u32;
	s5 =	sand.u32 $0x10, s5;
	(pc) =	sbr.rel .LBB2_1-.Ltmp0, $4  }
0x6: {  	s12 =	simm.s32 $0x0;
	s10 =	simm.s32 $0x0;
	s6 =	sor.u32 s1, s5  }
0x7: {  	[sflag:s4] =	ssyncpa.u1 $0x0;
	s5 =	simm.s32 $0x2;
	s6 =	sshll.u32 s6, $0x6  }
0x8: {  	s7 =	sadd.s32 $0xB71E00, s2;
	[sflag:s5] =	ssyncpa.u1 $0x0;
	s8 =	sadd.s32 $0x40, s6  }
0x9: {  	vm0 =	vmmov $0xff;
	vm1 =	vcmask $0x3F20;
	[sflag:s9] =	ssyncpa.u1 $0x0;
	s9 =	simm.s32 $0x40;
	s11 =	smov.u32 s6  }
.LBB2_9:
0xa: {  	p0 =	seq.s32 s10, $0x2  }
.Ltmp1:
0xb: {  	_ = 	snop;
	(pc) =	sbr.rel @p0 .LBB2_11-.Ltmp1, $1  }
0xc: {  	_ =	sdelay $0x3  }
.LBB2_10:
0xd: {  	s12 =	sadd.s32 $0x40, s11  }
0xe: {  	s13 =	smov.u32 s6;
	p0 =	slt.s32 s12, s8  }
0xf: {  	s13 =	smov.u32 @p0 s12  }
0x10: {  	s10 =	sadd.s32 $0x1, s10;
	s12 =	smov.u32 s11;
	s11 =	smov.u32 s13  }
.LBB2_1:
0x11: {  	p0 =	sne.s32 s10, $0x0  }
.Ltmp2:
0x12: {  	_ = 	snop;
	(pc) =	sbr.rel @!p0 .LBB2_2-.Ltmp2, $1  }
0x13: {  	_ =	sdelay $0x3  }
0x14: {  	s13 =	sand.u32 $0x1, s10  }
0x15: {  	p0 =	seq.s32 s13, $0x0  }
.Ltmp3:
0x16: {  	_ = 	snop;
	(pc) =	sbr.rel @p0 .LBB2_9-.Ltmp3, $1  }
0x17: {  	_ =	sdelay $0x3  }
0x18: {  	_ =	swait.ge [sflag:s5], $0x40  }
0x19: {  	[sflag:s5] =	ssyncset.done $0x0  }
0x1a: {  	s13 =	simm.s32 $0x0;
	[sflag:s5] =	ssyncadd.s32 $0xFFFFFFC0  }
0x1b: {  	v0 =	vld.msk [tilespmem:s13+$0x40 ss:$0x1], $0xffff;
	_ =	sdelay $0x4  }
0x1c: {  	vm2 =	vgt.s32 v0, $0x0  }
0x1d: {  	v0 =	vnsel vm2, $0x0, v0  }
0x1e: {  	v0 =	vmin.u32 v0, $0xF423F  }
0x1f: {  	v0 =	vshll.u32 v0, $0x4;
	_ =	sdelay $0x3  }
0x20: {  	s13 =	simm.s32 $0x2080  }
0x21: {  	[tilespmem:s13], [sflag:$0x1] =	stream.indirect_vreg.gather [hbm:s7], $0x80, v0, vm0, $0x38;
	[tilespmem:$0x4080] =	vst v63  }
0x22: {  	s14 =	simm.s32 $0x2480;
	s31 =	simm.s32 $0x10  }
0x23: {  	[tilespmem:s14], [sflag:$0x1] =	stream.indirect_vreg.gather [hbm:s7], $0x80, v0, vm1, $0x38;
	[tilespmem:$0x4080] =	vst v63  }
0x24: {  	s14 =	simm.s32 $0x80;
	v0 =	vld.msk [tilespmem:s31+$0x40 ss:$0x1], $0xffff  }
.LBB2_5:
0x25: {  	p0 =	sne.s32 s14, $0xC0;
	_ =	sdelay $0x4  }
0x26: {  	vm2 =	vgt.s32 v0, $0x0  }
0x27: {  	v0 =	vnsel vm2, $0x0, v0  }
0x28: {  	v0 =	vmin.u32 v0, $0xF423F  }
0x29: {  	v0 =	vshll.u32 v0, $0x4;
	_ =	sdelay $0x3  }
.Ltmp4:
0x2a: {  	s13 =	sadd.s32 $0x800, s13;
	(pc) =	sbr.rel @p0 .LBB2_5-.Ltmp4, $4  }
0x2b: {  	[tilespmem:s13], [sflag:$0x1] =	stream.indirect_vreg.gather [hbm:s7], $0x80, v0, vm0, $0x38;
	[tilespmem:$0x4080] =	vst v63  }
0x2c: {  	s15 =	sshra.s32 s14, $0x2;
	s16 =	sadd.s32 $0x400, s13  }
0x2d: {  	[tilespmem:s16], [sflag:$0x1] =	stream.indirect_vreg.gather [hbm:s7], $0x80, v0, vm1, $0x38;
	[tilespmem:$0x4080] =	vst v63  }
0x2e: {  	s14 =	sadd.s32 $0x40, s14;
	v0 =	vld.msk [tilespmem:s15+$0x40 ss:$0x1], $0xffff  }
0x2f: {  	_ =	sdelay $0x3  }
0x30: {  	vm2 =	vgt.s32 v0, $0x0  }
0x31: {  	v0 =	vnsel vm2, $0x0, v0  }
0x32: {  	v0 =	vmin.u32 v0, $0xF423F  }
0x33: {  	v0 =	vshll.u32 v0, $0x4;
	_ =	sdelay $0x3  }
0x34: {  	s13 =	sadd.s32 $0x800, s13  }
0x35: {  	[tilespmem:s13], [sflag:$0x1] =	stream.indirect_vreg.gather [hbm:s7], $0x80, v0, vm0, $0x38;
	[tilespmem:$0x4080] =	vst v63  }
0x36: {  	s13 =	sadd.s32 $0x400, s13  }
0x37: {  	[tilespmem:s13], [sflag:$0x1] =	stream.indirect_vreg.gather [hbm:s7], $0x80, v0, vm1, $0x38;
	[tilespmem:$0x4080] =	vst v63  }
0x38: {  	s12 =	sshll.u32 s12, $0x4;
	s14 =	simm.s32 $0x80;
	_ =	swait.ge [sflag:s4], $0x2000  }
0x39: {  	s15 =	simm.s32 $0x2480;
	s12 =	sadd.s32 s12, s2;
	[sflag:s4] =	ssyncset.done $0x0  }
0x3a: {  	s16 =	sadd.s32 $0x0, s12;
	s13 =	simm.s32 $0x2080;
	[sflag:s4] =	ssyncadd.s32 $0xFFFFE000  }
.LBB2_7:
0x3b: {  	[hbm:s16] =	stream.linear.scatter [tilespmem:s13], [sflag:$0x3], $0x400, $0x38;
	[tilespmem:$0x4080] =	vst v63  }
0x3c: {  	s16 =	smov.u32 s14;
	s13 =	smov.u32 s15;
	p0 =	sne.s32 s14, $0x380  }
.Ltmp5:
0x3d: {  	s14 =	sadd.s32 $0x80, s14;
	(pc) =	sbr.rel @p0 .LBB2_7-.Ltmp5, $2  }
0x3e: {  	_ =	sdelay $0x2  }
0x3f: {  	s15 =	sadd.s32 $0x400, s15;
	s16 =	sadd.s32 s16, s12  }
.Ltmp6:
0x40: {  	(pc) =	sbr.rel .LBB2_9-.Ltmp6, $2  }
0x41: {  	_ =	sdelay $0x2  }
0x42: {  	[hbm:s16] =	stream.linear.scatter [tilespmem:s13], [sflag:$0x3], $0x400, $0x38;
	[tilespmem:$0x4080] =	vst v63  }
.LBB2_2:
.Ltmp7:
0x43: {  	(pc) =	sbr.rel .LBB2_10-.Ltmp7, $4  }
0x44: {  	_ = 	snop  }
0x45: {  	s12 =	sshrl.u32 s11, $0x3  }
0x46: {  	s13 =	sand.u32 $0x7, s11;
	s12 =	sadd.s32 s3, s12  }
0x47: {  	[tilespmem:s9], [sflag:$0x2] =	stream.linear.gather [hbm4b:s12+s13], $0x40, $0x38;
	[tilespmem:$0x4080] =	vst v63  }
.LBB2_11:
0x48: {  	s2 =	simm.s32 $0x3  }
0x49: {  	_ =	swait.ge [sflag:s2], $0x2000  }
0x4a: {  	[sflag:s2] =	ssyncset.done $0x0  }
0x4b: {  	[sflag:s2] =	ssyncadd.s32 $0xFFFFE000  }
0x4c: {  	_ =	sfence.sel $0x180000  }
0x4d: {  	s3 =	simm.s32 $0x2;
	[bflag:$0x0] =	sbarrier.arrive $0xFFFF  }
0x4e: {  	[sflag:s3] =	ssyncpa.u1 $0x1  }
0x4f: {  	s31 =	simm.s32 $0x1;
	[sflag:s2] =	ssyncpa.u1 $0x1  }
0x50: {  	[sflag:s31] =	ssyncpa.u1 $0x1  }
0x51: {  	p0 =	sne.s32 s1, $0x0;
	_ =	strace $0x9000004A  }
0x52: {  	s0 =	sadd.s32 @!p0 $0x100000, s0;
	[bflag:$0x2] =	sbarrier.arrive $0xFFFF  }
0x53: {  	[sflag:s0] =	ssyncadd.tile.s32 @!p0 $0x1;
	_ =	shalt  }
.Lfunc_end2:
_tile_overlayer_lowered:
.L_overlay_start_2:
0x54: {  	(tag) =	ssettag $0x2  }
0x55: {  	s0 =	rddreg [dreg:$0x0];
	s2 =	stileid.u32  }
0x56: {  	s1 =	rddreg [dreg:$0x1];
	p0 =	sne.s32 s2, $0x0  }
0x57: {  	s3 =	rddreg [dreg:$0x2];
	[bflag:$0x3] =	sbarrier.arrive $0xFFFF;
	s2 =	simm.s32 @!p0 $0x1C01  }
0x58: {  	[timem:s3], [sflag:s2] =	dma.local @!p0 [hbm:s0], s1  }
0x59: {  	s0 =	simm.s32 @!p0 $0x1  }
0x5a: {  	_ =	swait.ge @!p0 [sflag:s0], s1  }
0x5b: {  	s1 =	ssub.s32 @!p0 $0x0, s1;
	[sflag:s0] =	ssyncset.done @!p0 $0x0  }
0x5c: {  	[sflag:s0] =	ssyncadd.s32 @!p0 s1  }
0x5d: {  	[bflag:$0x3] =	sbarrier.arrive $0xFFFF  }
0x5e: {  	_ =	shalt  }

// kernel: sparse-core-data-format-call.cloned.1.call-start
scs
called_computation_lowered:
.L_overlay_start_0:
0x0: {  	s1 =	sld [smem:$0x3FD9]  }
0x1: {  	s2 =	sld [smem:$0x3FFE];
	_ =	sdelay $0x1  }
0x2: {  	s3 =	srdreg.scid  }
0x3: {  	s0 =	sand.u32 $0x1, s3  }
0x4: {  	s17 =	sshll.u32 s0, $0xA;
	s1 =	sadd.s32 s2, s1  }
0x5: {  	s1 =	sadd.s32 s1, s17  }
0x6: {  	[smem:$0x3FC6] =	sst s1  }
0x7: {  	_ = 	snop  }
0x8: {  	(tm) =	ssettm $0x1  }
0x9: {  	s18 =	sld [smem:$0x3FFB];
	_ =	sdelay $0x3  }
0xa: {  	_ =	strace s18  }
0xb: {  	s1 =	sld [smem:$0x3FFC];
	_ =	sdelay $0x3  }
0xc: {  	_ =	strace s1  }
0xd: {  	s1 =	sld [smem:$0x3FFD];
	_ =	sdelay $0x3  }
0xe: {  	_ =	strace s1  }
0xf: {  	_ =	strace $0x8FFFFFFF  }
0x10: {  	s19 =	sld [smem:$0x3FDB];
	_ =	sdelay $0x1  }
0x11: {  	s20 =	simm.s32 $_scs_section_size  }
0x12: {  	s4 =	simm.s32 $_size__tile_overlayer_lowered;
	s5 =	simm.s32 $_tile_overlayer_lowered  }
0x13: {  	s23 =	simm.s32 $0x1BFF;
	s22 =	sshll.u32 s5, $0x1;
	s1 =	sadd.s32 s20, s19  }
0x14: {  	s6 =	simm.s32 $0x0;
	s21 =	sshll.u32 s4, $0x1;
	s4 =	sadd.s32 s22, s1  }
0x15: {  	[timem:s6], [sflag:s23] =	dma.local [hbm:s4], s21  }
0x16: {  	_ =	swait.ge [sflag:s23], s21  }
0x17: {  	s2 =	ssub.s32 $0x0, s21;
	[sflag:s23] =	ssyncset.done $0x0  }
0x18: {  	[sflag:s23] =	ssyncadd.s32 s2;
	_ =	sdelay $0x1  }
0x19: {  	s24 =	simm.s32 $0x1B8B  }
0x1a: {  	_ =	swait.ge [sflag:s24], $0x1  }
0x1b: {  	[sflag:s24] =	ssyncset.done $0x0  }
0x1c: {  	s26 =	simm.s32 $0x1B8E;
	s25 =	sld [smem:$0x3FFE];
	[sflag:s24] =	ssyncadd.s32 $0xFFFFFFFF  }
0x1d: {  	s27 =	simm.s32 $execute0_lowered;
	[smem:$0x3FD2] =	sst s26  }
0x1e: {  	s4 =	sshll.u32 s27, $0x1;
	_ =	strace $0x80000046;
	[dreg:$0x1] =	wrdreg $0xFFFFFFFF  }
0x1f: {  	s28 =	simm.s32 $_size_execute0_lowered;
	s1 =	sadd.s32 s1, s4;
	[dreg:$0x0] =	wrdreg $0x0  }
0x20: {  	s4 =	sshll.u32 s28, $0x1;
	[dreg:$0x2] =	wrdreg s1  }
0x21: {  	[dreg:$0x3] =	wrdreg s4  }
0x22: {  	[dreg:$0x4] =	wrdreg $0xC0  }
0x23: {  	_ =	task [dreg:s6], $0x5FFFF  }
0x24: {  	[dreg:$0x1] =	wrdreg $0xFFFFFFFF  }
0x25: {  	[dreg:$0x0] =	wrdreg $0x60  }
0x26: {  	[dreg:$0x2] =	wrdreg s25  }
0x27: {  	[dreg:$0x3] =	wrdreg $0x9  }
0x28: {  	_ =	task.clear_ibuf [dreg:s6], $0x4FFFF;
	_ =	strace $0x90000046  }
0x29: {  	s29 =	simm.s32 $0x9;
	_ =	strace $0x80000048  }
0x2a: {  	_ =	swait.ge [sflag:s29], $0x1  }
0x2b: {  	[sflag:s29] =	ssyncadd.s32 $0xFFFFFFFF  }
0x2c: {  	_ =	strace $0x90000048  }
0x2d: {  	_ =	sfence  }
0x2e: {  	s30 =	sld [smem:$0x0];
	_ =	sdelay $0x2  }
0x2f: {  	s31 =	sshll.u32 s3, $0xD;
	s3 =	sshrl.u32 s3, $0x2  }
0x30: {  	s2 =	sand.u32 $0x4000, s31;
	s1 =	sadd.s32 s3, s30  }
0x31: {  	s0 =	sor.u32 s2, s0;
	s1 =	sshll.u32 s1, $0x11  }
0x32: {  	s0 =	sor.u32 s1, s0  }
0x33: {  	s0 =	sadd.s32 $0x8F2B, s0  }
0x34: {  	[sflag:s0] =	ssyncadd.remote.s32 $0x1  }
0x35: {  	_ =	sfence.sel $0xFFFF  }
0x36: {  	[dreg:$0x0] =	wrdreg $0xFFFFFFFF;
	(pc) =	sbr.abs _section_cstart, $3  }
0x37: {  	[dreg:$0x1] =	wrdreg $0xFFFFFFFF  }
0x38: {  	_ =	task.clear_ibuf [dreg:s6], $0x2FFFF;
	_ =	strace $0x9FFFFFFF  }
0x39: {  	(tm) =	ssettm $0x7FFFFFFF  }
tec
execute0_lowered:
.L_overlay_start_1:
0x0: {  	(tag) =	ssettag $0x1  }
0x1: {  	s0 =	srdreg.scid  }
0x2: {  	s2 =	rddreg [dreg:$0x0];
	s1 =	stileid.u32  }
0x3: {  	s4 =	simm.s32 $0x1;
	s6 =	simm.s32 $0x2;
	s15 =	simm.s32 $0x0  }
0x4: {  	p0 =	por $0x0, $0x0;
	s8 =	simm.s32 $0x80;
	s0 =	sshll.u32 s0, $0x4  }
0x5: {  	s14 =	simm.s32 $0x0;
	s9 =	simm.s32 $0x0;
	s3 =	sand.u32 $0x10, s0  }
.Ltmp0:
0x6: {  	s10 =	simm.s32 $0x0;
	s3 =	sor.u32 s1, s3;
	(pc) =	sbr.rel .LBB1_1-.Ltmp0, $4  }
0x7: {  	s0 =	rddreg [dreg:$0x1];
	_ =	strace $0x80000047;
	s3 =	sshll.u32 s3, $0x7  }
0x8: {  	s12 =	simm.s32 $0x0;
	[sflag:s4] =	ssyncpa.u1 $0x0;
	s7 =	ssub.s32 $0x7A100, s3  }
0x9: {  	s13 =	simm.s32 $0x0;
	[sflag:s6] =	ssyncpa.u1 $0x0;
	s6 =	sshrl.u32 s7, $0xC  }
0xa: {  	s5 =	sadd.s32 $0x3D0C00, s2;
	s11 =	smov.u32 s3;
	s7 =	sadd.s32 $0x2, s6  }
.LBB1_5:
0xb: {  	p1 =	slt.u32 s13, $0x2  }
0xc: {  	s17 =	smov.u32 s15;
	p2 =	sgt.s32 @!p1 s15, $0x7A0A0;
	s16 =	sshra.s32 @!p1 s15, $0x1F  }
0xd: {  	p3 =	sgt.s32 @!p1 s14, $0x40;
	s18 =	sshra.s32 @!p1 s14, $0x1F;
	p2 =	por !p2, p1  }
0xe: {  	s15 =	sand.u32 @!p1 s16, s15;
	p3 =	por !p3, p1;
	s16 =	smov.u32 s14  }
0xf: {  	s14 =	sand.u32 @!p1 s18, s14;
	s17 =	simm.s32 @p2 $0x7A0A0;
	s16 =	simm.s32 @p3 $0x40  }
0x10: {  	s15 =	ssub.s32 @!p1 s17, s15;
	s14 =	ssub.s32 @!p1 s16, s14  }
0x11: {  	s18 =	smov.u32 s12;
	s16 =	sadd.s32 @!p1 $0xFFF85F60, s15;
	s17 =	sadd.s32 @!p1 $0xFFFFFFC0, s14  }
0x12: {  	s15 =	ssub.s32 @!p1 $0x7A120, s15;
	p2 =	sgt.s32 @!p1 s16, $0x7F;
	p3 =	sgt.s32 @!p1 s17, $0x3F  }
0x13: {  	s14 =	ssub.s32 @!p1 $0x80, s14;
	p2 =	por !p2, p1;
	p3 =	por !p3, p1  }
0x14: {  	s16 =	sadd.s32 $0x1000, s11;
	s15 =	simm.s32 @!p2 $0x0;
	s14 =	simm.s32 @!p3 $0x0  }
0x15: {  	p2 =	sgt.s32 s16, $0x7A11F;
	s14 =	smul.u32 @!p1 s14, s15;
	s15 =	sadd.s32 $0x40, s12  }
0x16: {  	s18 =	smov.u32 @p2 s15  }
0x17: {  	s16 =	smov.u32 @p2 s3;
	p2 =	sgt.s32 s18, $0x3F  }
0x18: {  	s18 =	simm.s32 @p2 $0x0;
	p2 =	sne.s32 s13, s7  }
.Ltmp1:
0x19: {  	p0 =	por !p0, !p0;
	s17 =	simm.s32 @!p1 $0x2;
	(pc) =	sbr.rel @!p2 .LBB1_6-.Ltmp1, $4  }
0x1a: {  	s15 =	smov.u32 s9;
	s9 =	smov.u32 s11;
	s14 =	sand.u32 @!p1 $0x3FFFFFFF, s14  }
0x1b: {  	s11 =	smov.u32 s16;
	_ =	swait.ge @!p1 [sflag:s17], s14;
	s19 =	ssub.s32 @!p1 $0x0, s14  }
0x1c: {  	s14 =	smov.u32 s10;
	s13 =	sadd.s32 $0x1, s13;
	[sflag:s17] =	ssyncset.done @!p1 $0x0  }
0x1d: {  	s10 =	smov.u32 s12;
	s12 =	smov.u32 s18;
	[sflag:s17] =	ssyncadd.s32 @!p1 s19  }
.LBB1_1:
0x1e: {  	p1 =	sgt.u32 s13, s6  }
0x1f: {  	s16 =	sshrl.u32 @!p1 s12, $0x3  }
0x20: {  	s17 =	sshll.u32 @!p1 s11, $0x3;
	s16 =	smul.u32 @!p1 $0x3D0C00, s16  }
0x21: {  	s18 =	sshll.u32 @!p1 s12, $0x7;
	s17 =	sand.u32 @!p1 $0xFFFFFC00, s17  }
0x22: {  	s16 =	sadd.s32 @!p1 s16, s17;
	s17 =	sand.u32 @!p1 $0x380, s18  }
0x23: {  	s16 =	sor.u32 @!p1 s17, s16  }
0x24: {  	s17 =	sshrl.u32 @!p1 s16, $0x7  }
0x25: {  	s17 =	smulhi.u32 @!p1 $0x10C6249, s17;
	_ =	sdelay $0x1  }
0x26: {  	s17 =	sshrl.u32 @!p1 s17, $0x4  }
0x27: {  	s18 =	sand.u32 @!p1 $0x7F, s11;
	s19 =	smul.u32 @!p1 $0x7A180, s17  }
0x28: {  	s16 =	sor.u32 @!p1 s18, s16;
	s18 =	sxor.u32 @!p1 $0xFFFFFFFF, s13  }
0x29: {  	s18 =	sshll.u32 @!p1 s18, $0xD;
	s17 =	sand.u32 @!p1 $0x3F, s17;
	s16 =	ssub.s32 @!p1 s16, s19  }
0x2a: {  	s17 =	smul.u32 @!p1 $0xF430, s17;
	s19 =	sshrl.u32 @!p1 s16, $0x3;
	s16 =	sand.u32 @!p1 $0x7, s16  }
0x2b: {  	s18 =	sand.u32 @!p1 $0x2000, s18;
	s19 =	sadd.s32 @!p1 s2, s19;
	s16 =	sshll.u32 @!p1 s16, $0x12  }
0x2c: {  	s17 =	sadd.s32 @!p1 s17, s19;
	s16 =	sor.u32 @!p1 $0x400, s16;
	s19 =	simm.s32 @!p1 $0x3D0C00  }
0x2d: {  	[tilespmem:s18], [sflag:$0x1] =	stream.strided.gather @!p1 [hbm4b:s17+s16], $0x2000, s19, s16, $0x38;
	[tilespmem:$0x8100] =	vst v63  }
0x2e: {  	p1 =	seq.s32 s13, $0x0  }
0x2f: {  	p2 =	sge.u32 @!p1 s13, s7  }
0x30: {  	p1 =	por p1, p2  }
.Ltmp2:
0x31: {  	_ = 	snop;
	(pc) =	sbr.rel @p1 .LBB1_5-.Ltmp2, $1  }
0x32: {  	_ =	sdelay $0x3  }
0x33: {  	s16 =	simm.s32 $0x1  }
0x34: {  	_ =	swait.ge [sflag:s4], $0x2000;
	s16 =	simm.s32 @!p0 $0x0  }
0x35: {  	[sflag:s4] =	ssyncset.done $0x0;
	s17 =	sshll.u32 s16, $0xD  }
0x36: {  	[sflag:s4] =	ssyncadd.s32 $0xFFFFE000;
	s17 =	sor.u32 $0x40, s17  }
0x37: {  	s16 =	smul.u32 $0x8200, s16;
	v0 =	vld [tilespmem:s17+$0x30]  }
0x38: {  	v1 =	vld [tilespmem:s17+$0xFFFFFFD0]  }
0x39: {  	s16 =	sshrl.u32 s16, $0x2;
	v5 =	vld [tilespmem:s17+$0xFFFFFFE0]  }
0x3a: {  	v6 =	vld [tilespmem:s17+$0xFFFFFFF0];
	s19 =	sor.u32 $0x4000, s16  }
0x3b: {  	s31 =	sand.u32 $0x1, s13;
	v4 =	vld [tilespmem:s17+$0x0];
	s18 =	sadd.s32 $0x0, s19  }
0x3c: {  	v3 =	vld [tilespmem:s17+$0x10];
	s16 =	smul.u32 $0x8200, s31;
	[tilespmem:s18+$0x1C70 ss:$0x41] =	vst.msk $0xffff, v0  }
0x3d: {  	v2 =	vld [tilespmem:s17+$0x20];
	[tilespmem:s18+$0x410 ss:$0x41] =	vst.msk $0xffff, v1  }
0x3e: {  	s16 =	sshrl.u32 s16, $0x2;
	v1 =	vld [tilespmem:s17+$0xFFFFFFC0];
	[tilespmem:s18+$0x820 ss:$0x41] =	vst.msk $0xffff, v5;
	s17 =	sadd.s32 $0x80, s17  }
0x3f: {  	s20 =	simm.s32 $0x4;
	s21 =	simm.s32 $0x8;
	s16 =	sor.u32 $0x4000, s16;
	[tilespmem:s18+$0xC30 ss:$0x41] =	vst.msk $0xffff, v6;
	v0 =	vld [tilespmem:s17+$0x30]  }
.LBB1_3:
0x40: {  	p1 =	sne.s32 s21, $0xFC;
	v5 =	vld [tilespmem:s17+$0xFFFFFFD0];
	[tilespmem:s18+$0x1040 ss:$0x41] =	vst.msk $0xffff, v4  }
0x41: {  	v6 =	vld [tilespmem:s17+$0xFFFFFFE0];
	[tilespmem:s18+$0x1450 ss:$0x41] =	vst.msk $0xffff, v3  }
0x42: {  	s22 =	sshra.s32 s20, $0x2;
	s20 =	smov.u32 s21;
	v7 =	vld [tilespmem:s17+$0xFFFFFFF0];
	[tilespmem:s18+$0x1860 ss:$0x41] =	vst.msk $0xffff, v2  }
.Ltmp3:
0x43: {  	v4 =	vld [tilespmem:s17+$0x0];
	[tilespmem:s18+$0x0 ss:$0x41] =	vst.msk $0xffff, v1;
	s18 =	sadd.s32 s22, s19;
	(pc) =	sbr.rel @p1 .LBB1_3-.Ltmp3, $4  }
0x44: {  	v3 =	vld [tilespmem:s17+$0x10];
	[tilespmem:s18+$0x1C70 ss:$0x41] =	vst.msk $0xffff, v0  }
0x45: {  	[tilespmem:s18+$0x410 ss:$0x41] =	vst.msk $0xffff, v5;
	v2 =	vld [tilespmem:s17+$0x20]  }
0x46: {  	v1 =	vld [tilespmem:s17+$0xFFFFFFC0];
	[tilespmem:s18+$0x820 ss:$0x41] =	vst.msk $0xffff, v6;
	s17 =	sadd.s32 $0x80, s17  }
0x47: {  	s21 =	sadd.s32 $0x4, s21;
	v0 =	vld [tilespmem:s17+$0x30];
	[tilespmem:s18+$0xC30 ss:$0x41] =	vst.msk $0xffff, v7  }
0x48: {  	s21 =	sshll.u32 s9, $0x7;
	s22 =	sshll.u32 s10, $0x3;
	s20 =	sshra.s32 s20, $0x2  }
0x49: {  	p1 =	sgt.s32 s9, $0x7A0A0;
	s30 =	sshra.s32 s9, $0x1F;
	s25 =	sshra.s32 s10, $0x1F  }
0x4a: {  	v5 =	vld [tilespmem:s17+$0xFFFFFFD0];
	s28 =	sshrl.u32 s10, $0x3;
	s23 =	sand.u32 $0xFFFFFC00, s21;
	s22 =	sand.u32 $0xFFFFFC00, s22  }
0x4b: {  	[tilespmem:s18+$0x1040 ss:$0x41] =	vst.msk $0xffff, v4;
	v58 =	vld [tilespmem:s17+$0xFFFFFFE0];
	s21 =	sand.u32 $0x380, s21;
	s19 =	sadd.s32 s20, s19;
	s22 =	sadd.s32 s22, s23  }
0x4c: {  	v59 =	vld [tilespmem:s17+$0xFFFFFFF0];
	[tilespmem:s18+$0x1450 ss:$0x41] =	vst.msk $0xffff, v3;
	s29 =	sor.u32 s21, s22;
	s21 =	smov.u32 s9;
	s22 =	sand.u32 s30, s9  }
0x4d: {  	v60 =	vld [tilespmem:s17+$0x0];
	[tilespmem:s18+$0x1860 ss:$0x41] =	vst.msk $0xffff, v2;
	s30 =	sand.u32 $0x7, s10;
	s20 =	sshrl.u32 s29, $0x7;
	s21 =	simm.s32 @!p1 $0x7A0A0  }
0x4e: {  	v61 =	vld [tilespmem:s17+$0x10];
	[tilespmem:s18+$0x0 ss:$0x41] =	vst.msk $0xffff, v1;
	p1 =	sgt.s32 s10, $0x40;
	s24 =	ssub.s32 s21, s22;
	s21 =	smov.u32 s10  }
0x4f: {  	v62 =	vld [tilespmem:s17+$0x20];
	[tilespmem:s19+$0x1C70 ss:$0x41] =	vst.msk $0xffff, v0;
	s31 =	smulhi.u32 $0x218DEF5, s20;
	s22 =	sand.u32 s25, s10;
	s21 =	simm.s32 @!p1 $0x40  }
0x50: {  	v63 =	vld [tilespmem:s17+$0xFFFFFFC0];
	[tilespmem:s19+$0x410 ss:$0x41] =	vst.msk $0xffff, v5;
	s26 =	sadd.s32 $0xFFF85F60, s24;
	s17 =	ssub.s32 $0x7A120, s24;
	s21 =	ssub.s32 s21, s22  }
0x51: {  	[tilespmem:s19+$0x820 ss:$0x41] =	vst.msk $0xffff, v58;
	s23 =	sshrl.u32 s31, $0xC;
	p1 =	sgt.s32 s26, $0x7F;
	s27 =	sadd.s32 $0xFFFFFFC0, s21  }
0x52: {  	[tilespmem:s19+$0xC30 ss:$0x41] =	vst.msk $0xffff, v59;
	s23 =	smul.u32 $0x7A120, s23;
	s18 =	ssub.s32 $0x80, s21;
	p2 =	sgt.s32 s27, $0x3F  }
.Ltmp4:
0x53: {  	[tilespmem:s19+$0x1040 ss:$0x41] =	vst.msk $0xffff, v60;
	s17 =	simm.s32 @p1 $0x0;
	s18 =	simm.s32 @p2 $0x0;
	(pc) =	sbr.rel .LBB1_5-.Ltmp4, $4  }
0x54: {  	s29 =	sand.u32 $0xF, s28;
	[tilespmem:s19+$0x1450 ss:$0x41] =	vst.msk $0xffff, v61;
	s20 =	ssub.s32 s20, s23;
	s17 =	smul.u32 s18, s17  }
0x55: {  	[tilespmem:s19+$0x1860 ss:$0x41] =	vst.msk $0xffff, v62;
	s21 =	sshll.u32 s30, $0x12;
	s20 =	sshll.u32 s20, $0x4;
	s18 =	sadd.s32 s5, s29  }
0x56: {  	[tilespmem:s19+$0x0 ss:$0x41] =	vst.msk $0xffff, v63;
	s31 =	sor.u32 $0x40, s21;
	s18 =	sadd.s32 s20, s18;
	s17 =	sand.u32 $0x3FFFFFFF, s17  }
0x57: {  	[hbm4b:s18+s31] =	stream.strided.scatter [tilespmem:s16], [sflag:$0x2], s17, s8, s31, $0x18;
	[tilespmem:$0x8100] =	vst v63  }
.LBB1_6:
0x58: {  	_ =	sfence.sel $0x180000  }
0x59: {  	s2 =	simm.s32 $0x1;
	[bflag:$0x0] =	sbarrier.arrive $0xFFFF  }
0x5a: {  	s31 =	simm.s32 $0x2;
	[sflag:s2] =	ssyncpa.u1 $0x1  }
0x5b: {  	[sflag:s31] =	ssyncpa.u1 $0x1  }
0x5c: {  	p0 =	sne.s32 s1, $0x0;
	_ =	strace $0x90000047  }
0x5d: {  	s0 =	sadd.s32 @!p0 $0x100000, s0;
	[bflag:$0x2] =	sbarrier.arrive $0xFFFF  }
0x5e: {  	[sflag:s0] =	ssyncadd.tile.s32 @!p0 $0x1;
	_ =	shalt  }
.Lfunc_end1:
_tile_overlayer_lowered:
.L_overlay_start_2:
0x5f: {  	(tag) =	ssettag $0x2  }
0x60: {  	s0 =	rddreg [dreg:$0x0];
	s2 =	stileid.u32  }
0x61: {  	s1 =	rddreg [dreg:$0x1];
	p0 =	sne.s32 s2, $0x0  }
0x62: {  	s3 =	rddreg [dreg:$0x2];
	[bflag:$0x3] =	sbarrier.arrive $0xFFFF;
	s2 =	simm.s32 @!p0 $0x1C01  }
0x63: {  	[timem:s3], [sflag:s2] =	dma.local @!p0 [hbm:s0], s1  }
0x64: {  	s0 =	simm.s32 @!p0 $0x1  }
0x65: {  	_ =	swait.ge @!p0 [sflag:s0], s1  }
0x66: {  	s1 =	ssub.s32 @!p0 $0x0, s1;
	[sflag:s0] =	ssyncset.done @!p0 $0x0  }
0x67: {  	[sflag:s0] =	ssyncadd.s32 @!p0 s1  }
0x68: {  	[bflag:$0x3] =	sbarrier.arrive $0xFFFF  }
0x69: {  	_ =	shalt  }

</sc_bundles>
